<compile_context>
chip_gen: v7x
topology: tpu7x:2x2x1
jax: 0.10.2.dev20260603
libtpu: 0.0.44.dev20260713+nightly
codegen_flags: <defaults>
</compile_context>

<pallas_src>
import functools
import math

import jax
import jax.numpy as jnp
from jax import lax
from jax.experimental import pallas as pl
from jax.experimental.pallas import tpu as pltpu
from jax.experimental.pallas import tpu_sc as plsc

N = 2000000
G = 1024
GG = G * G
HALF = 2 * GG
PAD = 16384
OUTW = HALF + PAD
DUMP = HALF
GDUMP = 4 * GG

B = 16000
NB = N // B

NTILE = 16
ROWS_PT = 984
NPAD = NTILE * ROWS_PT * 128
CHUNK = 24
NCHUNK = ROWS_PT // CHUNK

BR = 64
TANH1 = math.tanh(1.0)
VSCALE = 2.0 / math.sqrt(2.0)


def _prep_body(team_ref, px, py, ty, tm, f0, t0_ref, t1_ref, es_ref, ec_ref):
    i = pl.program_id(0)
    x = px[0, 0, :]
    y = py[0, 0, :]
    t = ty[0, 0, :]
    m = tm[0, 0, :]
    team = team_ref[0, 0]
    mx = jnp.clip((x * float(G)).astype(jnp.int32), 0, G - 1)
    my = jnp.clip((y * float(G)).astype(jnp.int32), 0, G - 1)
    flat = my * G + mx
    is_obstacle = t == 3
    is_ally = (t == 0) & (m == team)
    is_enemy = (t == 0) & (m != team) & (m >= 0)
    is_resource = t == 1
    ch = jnp.where(
        is_obstacle, 0,
        jnp.where(is_ally, 1, jnp.where(is_enemy, 2, jnp.where(is_resource, 3, -1))))
    valid = ch >= 0
    flat4 = jnp.where(valid, flat + GG * jnp.maximum(ch, 0), GDUMP)
    dump0 = DUMP + (flat & (PAD - 1))
    t0 = jnp.where(flat4 < HALF, flat4, dump0)
    t1 = jnp.where((flat4 >= HALF) & (flat4 < 4 * GG),
                   flat4 - HALF + OUTW, dump0 + OUTW)
    t0_ref[0, 0, :] = t0
    t1_ref[0, 0, :] = t1
    ally_f = is_ally.astype(jnp.float32)
    bs = jnp.sum(f0[0, 0, :] * ally_f)
    bc = jnp.sum(ally_f)

    @pl.when(i == 0)
    def _():
        es_ref[0, 0] = 0.0
        ec_ref[0, 0] = 0.0

    es_ref[0, 0] += bs
    ec_ref[0, 0] += bc


def _prep(px, py, ty, tm, f0, team):
    spec = lambda dt: pl.BlockSpec((1, 1, B), lambda i: (i, 0, 0))
    sspec = pl.BlockSpec((1, 1), lambda i: (0, 0), memory_space=pltpu.SMEM)
    return pl.pallas_call(
        _prep_body,
        grid=(NB,),
        in_specs=[sspec, spec(None), spec(None), spec(None), spec(None), spec(None)],
        out_specs=[
            pl.BlockSpec((1, 1, B), lambda i: (i, 0, 0)),
            pl.BlockSpec((1, 1, B), lambda i: (i, 0, 0)),
            sspec, sspec,
        ],
        out_shape=[
            jax.ShapeDtypeStruct((NB, 1, B), jnp.int32),
            jax.ShapeDtypeStruct((NB, 1, B), jnp.int32),
            jax.ShapeDtypeStruct((1, 1), jnp.float32),
            jax.ShapeDtypeStruct((1, 1), jnp.float32),
        ],
    )(team, px, py, ty, tm, f0)


def _sc_scatter(tgt):
    mesh = plsc.VectorSubcoreMesh(core_axis_name="c", subcore_axis_name="s")

    @functools.partial(
        pl.kernel,
        mesh=mesh,
        out_type=jax.ShapeDtypeStruct((2 * OUTW,), jnp.float32),
        scratch_types=[
            pltpu.VMEM((CHUNK, 128), jnp.int32),
            pltpu.VMEM((128,), jnp.float32),
            pltpu.VMEM((8256,), jnp.float32),
            pltpu.SemaphoreType.DMA,
        ],
    )
    def k(tgt_hbm, out_hbm, stg_v, ones_v, zero_v, sem):
        c = lax.axis_index("c")
        s = lax.axis_index("s")

        def fill_ones(j, _):
            ones_v[pl.ds(j * 16, 16)] = jnp.ones((16,), jnp.float32)
            return _

        lax.fori_loop(0, 8, fill_ones, 0, unroll=True)

        def fill_zero(j, _):
            zero_v[pl.ds(j * 16, 16)] = jnp.zeros((16,), jnp.float32)
            return _

        lax.fori_loop(0, 516, fill_zero, 0)

        cells_pt = OUTW // NTILE

        def zero_out(j, _):
            pltpu.sync_copy(
                zero_v,
                out_hbm.at[pl.ds(c * OUTW + s * cells_pt + j * 8256, 8256)])
            return _

        lax.fori_loop(0, cells_pt // 8256, zero_out, 0)

        plsc.subcore_barrier()

        def chunk(i, _):
            pltpu.sync_copy(tgt_hbm.at[c, s, pl.ds(i * CHUNK, CHUNK)], stg_v)
            ds = [
                pltpu.async_copy(ones_v, out_hbm.at[stg_v.at[j]], sem)
                for j in range(CHUNK)
            ]
            for d in ds:
                d.wait()
            return _

        lax.fori_loop(0, NCHUNK, chunk, 0)

    return k(tgt)


def _asm_body(sc_ref, g0r, g1r, g2r, g3r, out_ref):
    r = pl.program_id(0)
    g0 = g0r[0]
    g1 = g1r[0]
    g2 = g2r[0]
    g3 = g3r[0]
    avg = sc_ref[0, 0]
    step = sc_ref[0, 1]
    hx = sc_ref[0, 2]
    hy = sc_ref[0, 3]
    ii = lax.broadcasted_iota(jnp.int32, (BR, G), 0).astype(jnp.float32)
    jj = lax.broadcasted_iota(jnp.int32, (BR, G), 1).astype(jnp.float32)
    ccy = (r * BR + ii + 0.5) * (1.0 / G)
    ccx = (jj + 0.5) * (1.0 / G)
    one = jnp.ones((BR, G), jnp.float32)
    out_ref[0, 0] = g0
    out_ref[0, 1] = TANH1 * g1
    out_ref[0, 2] = TANH1 * g2
    out_ref[0, 3] = TANH1 * g3
    out_ref[0, 4] = g1
    out_ref[0, 5] = g2
    out_ref[0, 6] = g3
    out_ref[0, 7] = jnp.maximum(jnp.maximum(g1, g2), g3)
    out_ref[0, 8] = one
    out_ref[0, 9] = one
    out_ref[0, 10] = (hx - ccx) * VSCALE
    out_ref[0, 11] = (hy - ccy) * VSCALE
    out_ref[0, 12] = one * step
    out_ref[0, 13] = one * avg


def _assemble(grid2, consts):
    nrb = G // BR
    gspec = lambda h, off: pl.BlockSpec((1, BR, G), lambda r: (h, off + r, 0))
    return pl.pallas_call(
        _asm_body,
        grid=(nrb,),
        in_specs=[
            pl.BlockSpec((1, 4), lambda r: (0, 0), memory_space=pltpu.SMEM),
            gspec(0, 0), gspec(0, nrb), gspec(1, 0), gspec(1, nrb),
        ],
        out_specs=pl.BlockSpec((1, 14, BR, G), lambda r: (0, 0, r, 0)),
        out_shape=jax.ShapeDtypeStruct((1, 14, G, G), jnp.float32),
    )(consts, grid2, grid2, grid2, grid2)


def kernel(all_pos, all_types, all_teams, all_feat, own_hive_pos, team_id,
           current_step, grid_size, max_steps):
    px = all_pos[:, 0].reshape(NB, 1, B)
    py = all_pos[:, 1].reshape(NB, 1, B)
    ty = all_types.astype(jnp.int32).reshape(NB, 1, B)
    tm = all_teams.astype(jnp.int32).reshape(NB, 1, B)
    f0 = all_feat[:, 0].reshape(NB, 1, B)
    team = jnp.asarray(team_id, jnp.int32).reshape(1, 1)

    t0, t1, es, ec = _prep(px, py, ty, tm, f0, team)

    pad = DUMP + (jnp.arange(NPAD - N, dtype=jnp.int32) % PAD)
    t0f = jnp.concatenate([t0.reshape(-1), pad]).reshape(NTILE, ROWS_PT, 128)
    t1f = jnp.concatenate([t1.reshape(-1), pad + OUTW]).reshape(NTILE, ROWS_PT, 128)
    tgt = jnp.stack([t0f, t1f])

    out2 = _sc_scatter(tgt)
    grid2 = out2.reshape(2, OUTW // G, G)

    cnt = ec[0, 0]
    avg = jnp.where(cnt > 0, es[0, 0] / jnp.maximum(cnt, 1.0), 0.0)
    step_frac = jnp.asarray(current_step, jnp.float32) / jnp.asarray(max_steps, jnp.float32)
    consts = jnp.stack([
        avg, step_frac, own_hive_pos[0], own_hive_pos[1]
    ]).reshape(1, 4).astype(jnp.float32)

    return _assemble(grid2, consts)

# --- scband reference (transcript-rebuilt; emitter-appended) ---
"""Pipeline reference for scband-critic-observation-manager-53523882443222 (READ-ONLY COPY).

The authoritative reference and input builder live on the scoring server;
editing this copy changes nothing except your own understanding.
"""

import jax, jax.numpy as jnp
import numpy as np

N = 2000000
GRID = 1024
SCALE = 1.0 / 1024.0  # world_to_map_scale so rand[0,1) positions cover the full grid
WIDTH = 1.0
HEIGHT = 1.0
ENERGY_IDX = 0  # NODE_FEATURE_MAP['energy_norm']


def setup_inputs(seed: int = 0) -> dict:
    key = jax.random.key(seed)
    k1, k2, k3, k4, k5 = jax.random.split(key, 5)
    return {
        "all_pos": jax.random.uniform(k1, (N, 2), dtype=jnp.float32),
        "all_types": jax.random.randint(k2, (N,), 0, 4),
        "all_teams": jax.random.randint(k3, (N,), 0, 4),
        "all_feat": jax.random.uniform(k4, (N, 8), dtype=jnp.float32),
        "own_hive_pos": jax.random.uniform(k5, (2,), dtype=jnp.float32),
        "team_id": 1,
        "current_step": 500,
        "grid_size": GRID,
        "max_steps": 1000,
    }


def _scatter_ones(flat_idx, mask, size):
    # torch.scatter (overwrite) of ones at masked indices == scatter-max of the 0/1 mask
    return jnp.zeros((size,), dtype=jnp.float32).at[flat_idx].max(mask.astype(jnp.float32))


def reference(all_pos, all_types, all_teams, all_feat, own_hive_pos, team_id, current_step, grid_size, max_steps):
    g = GRID
    g_t = jnp.asarray(grid_size, jnp.int32)
    size = g * g
    pos_ng = jax.lax.stop_gradient(all_pos)
    mx = jnp.clip((pos_ng[:, 0] / SCALE).astype(jnp.int32), 0, g_t - 1)
    my = jnp.clip((pos_ng[:, 1] / SCALE).astype(jnp.int32), 0, g_t - 1)
    flat = my * g_t + mx
    obstacle_type, agent_type, resource_type = 3, 0, 1
    is_obstacle = all_types == obstacle_type
    is_ally = (all_types == agent_type) & (all_teams == team_id)
    is_enemy = (all_types == agent_type) & (all_teams != team_id) & (all_teams >= 0)
    is_resource = all_types == resource_type
    ch_obstacle = _scatter_ones(flat, is_obstacle, size).reshape(g, g)
    ch_ally = jnp.tanh(_scatter_ones(flat, is_ally, size).reshape(g, g))
    ch_enemy = jnp.tanh(_scatter_ones(flat, is_enemy, size).reshape(g, g))
    ch_resource = jnp.tanh(_scatter_ones(flat, is_resource, size).reshape(g, g))
    ch_ls_ally = (ch_ally > 0).astype(jnp.float32)
    ch_ls_enemy = (ch_enemy > 0).astype(jnp.float32)
    ch_ls_resource = (ch_resource > 0).astype(jnp.float32)
    ch_explored = jnp.max(jnp.stack([ch_ls_ally, ch_ls_enemy, ch_ls_resource]), axis=0)
    ch_cert_obstacle = jnp.ones((g, g), jnp.float32)
    ch_cert_resource = jnp.ones((g, g), jnp.float32)
    d_max = (WIDTH ** 2 + HEIGHT ** 2) ** 0.5
    map_scale = WIDTH / float(g)
    gr = jnp.arange(g, dtype=jnp.float32)
    ccy, ccx = jnp.meshgrid((gr + 0.5) * map_scale, (gr + 0.5) * map_scale, indexing="ij")
    ch_vhx = (own_hive_pos[0] - ccx) / (d_max / 2.0)
    ch_vhy = (own_hive_pos[1] - ccy) / (d_max / 2.0)
    step_frac = jnp.asarray(current_step, jnp.float32) / jnp.asarray(max_steps, jnp.float32)
    ch_step = jnp.ones((g, g), jnp.float32) * step_frac
    ally_f = is_ally.astype(jnp.float32)
    cnt = jnp.sum(ally_f)
    avg_energy = jnp.where(cnt > 0, jnp.sum(all_feat[:, ENERGY_IDX] * ally_f) / jnp.maximum(cnt, 1.0), 0.0)
    ch_energy = jnp.ones((g, g), jnp.float32) * avg_energy
    occ = jnp.stack([ch_obstacle, ch_ally, ch_enemy, ch_resource,
                     ch_ls_ally, ch_ls_enemy, ch_ls_resource, ch_explored,
                     ch_cert_obstacle, ch_cert_resource,
                     ch_vhx, ch_vhy, ch_step, ch_energy])
    return occ[None]

if __name__ == "__main__":
    import jax
    _d = setup_inputs()
    print(jax.jit(kernel)(*tuple(_d.values())))

</pallas_src>

<mosaic_0001>
#map = affine_map<(d0, d1) -> (0, 0, 0, 0)>
#map1 = affine_map<(d0, d1) -> (0)>
module attributes {stable_mosaic.version = 14 : i64} {
  func.func @k(%arg0: i32, %arg1: i32, %arg2: memref<2x16x984x128xi32, #tpu.memory_space<hbm>>, %arg3: memref<4227072xf32, #tpu.memory_space<hbm>>, %arg4: memref<24x128xi32, #tpu.memory_space<vmem>>, %arg5: memref<128xf32, #tpu.memory_space<vmem>>, %arg6: memref<8256xf32, #tpu.memory_space<vmem>>, %arg7: memref<!tpu.dma_semaphore, #tpu.memory_space<semaphore_mem>>) attributes {dimension_semantics = [#tpu.dimension_semantics<core_parallel>, #tpu.dimension_semantics<subcore_parallel>], iteration_bounds = array<i64: 2, 16>, scalar_prefetch = 0 : i64, scratch_operands = 4 : i64, tpu.core_type = #tpu.core_type<sc_vector_subcore>, window_params = [{transform_indices = #map}, {transform_indices = #map1}]} {
    %scan3A = arith.constant 0 : i32
    %scan3A_0 = arith.constant 0 : i32
    %broadcast_in_dim3A = arith.constant 1.000000e+00 : f32
    %broadcast_in_dim3A_1 = vector.broadcast %broadcast_in_dim3A : f32 to vector<16xf32>
    %mul3A = arith.constant 16 : i32
    %mul3A_2 = arith.muli %scan3A_0, %mul3A : i32
    %swap3A = arith.index_cast %mul3A_2 : i32 to index
    %swap3A_3 = tpu.vector_load %arg5[%swap3A] {strides = array<i32>} : memref<128xf32, #tpu.memory_space<vmem>>, vector<16xf32>,
    %swap3A_4 = vector.shape_cast %swap3A_3 : vector<16xf32> to vector<16xf32>
    %swap3A_5 = vector.shape_cast %broadcast_in_dim3A_1 : vector<16xf32> to vector<16xf32>
    tpu.vector_store %arg5[%swap3A], %swap3A_5 {strides = array<i32>} : memref<128xf32, #tpu.memory_space<vmem>>, vector<16xf32>,
    %scan3A_6 = arith.constant 1 : i32
    %broadcast_in_dim3A_7 = arith.constant 1.000000e+00 : f32
    %broadcast_in_dim3A_8 = vector.broadcast %broadcast_in_dim3A_7 : f32 to vector<16xf32>
    %mul3A_9 = arith.constant 16 : i32
    %mul3A_10 = arith.muli %scan3A_6, %mul3A_9 : i32
    %swap3A_11 = arith.index_cast %mul3A_10 : i32 to index
    %swap3A_12 = tpu.vector_load %arg5[%swap3A_11] {strides = array<i32>} : memref<128xf32, #tpu.memory_space<vmem>>, vector<16xf32>,
    %swap3A_13 = vector.shape_cast %swap3A_12 : vector<16xf32> to vector<16xf32>
    %swap3A_14 = vector.shape_cast %broadcast_in_dim3A_8 : vector<16xf32> to vector<16xf32>
    tpu.vector_store %arg5[%swap3A_11], %swap3A_14 {strides = array<i32>} : memref<128xf32, #tpu.memory_space<vmem>>, vector<16xf32>,
    %scan3A_15 = arith.constant 2 : i32
    %broadcast_in_dim3A_16 = arith.constant 1.000000e+00 : f32
    %broadcast_in_dim3A_17 = vector.broadcast %broadcast_in_dim3A_16 : f32 to vector<16xf32>
    %mul3A_18 = arith.constant 16 : i32
    %mul3A_19 = arith.muli %scan3A_15, %mul3A_18 : i32
    %swap3A_20 = arith.index_cast %mul3A_19 : i32 to index
    %swap3A_21 = tpu.vector_load %arg5[%swap3A_20] {strides = array<i32>} : memref<128xf32, #tpu.memory_space<vmem>>, vector<16xf32>,
    %swap3A_22 = vector.shape_cast %swap3A_21 : vector<16xf32> to vector<16xf32>
    %swap3A_23 = vector.shape_cast %broadcast_in_dim3A_17 : vector<16xf32> to vector<16xf32>
    tpu.vector_store %arg5[%swap3A_20], %swap3A_23 {strides = array<i32>} : memref<128xf32, #tpu.memory_space<vmem>>, vector<16xf32>,
    %scan3A_24 = arith.constant 3 : i32
    %broadcast_in_dim3A_25 = arith.constant 1.000000e+00 : f32
    %broadcast_in_dim3A_26 = vector.broadcast %broadcast_in_dim3A_25 : f32 to vector<16xf32>
    %mul3A_27 = arith.constant 16 : i32
    %mul3A_28 = arith.muli %scan3A_24, %mul3A_27 : i32
    %swap3A_29 = arith.index_cast %mul3A_28 : i32 to index
    %swap3A_30 = tpu.vector_load %arg5[%swap3A_29] {strides = array<i32>} : memref<128xf32, #tpu.memory_space<vmem>>, vector<16xf32>,
    %swap3A_31 = vector.shape_cast %swap3A_30 : vector<16xf32> to vector<16xf32>
    %swap3A_32 = vector.shape_cast %broadcast_in_dim3A_26 : vector<16xf32> to vector<16xf32>
    tpu.vector_store %arg5[%swap3A_29], %swap3A_32 {strides = array<i32>} : memref<128xf32, #tpu.memory_space<vmem>>, vector<16xf32>,
    %scan3A_33 = arith.constant 4 : i32
    %broadcast_in_dim3A_34 = arith.constant 1.000000e+00 : f32
    %broadcast_in_dim3A_35 = vector.broadcast %broadcast_in_dim3A_34 : f32 to vector<16xf32>
    %mul3A_36 = arith.constant 16 : i32
    %mul3A_37 = arith.muli %scan3A_33, %mul3A_36 : i32
    %swap3A_38 = arith.index_cast %mul3A_37 : i32 to index
    %swap3A_39 = tpu.vector_load %arg5[%swap3A_38] {strides = array<i32>} : memref<128xf32, #tpu.memory_space<vmem>>, vector<16xf32>,
    %swap3A_40 = vector.shape_cast %swap3A_39 : vector<16xf32> to vector<16xf32>
    %swap3A_41 = vector.shape_cast %broadcast_in_dim3A_35 : vector<16xf32> to vector<16xf32>
    tpu.vector_store %arg5[%swap3A_38], %swap3A_41 {strides = array<i32>} : memref<128xf32, #tpu.memory_space<vmem>>, vector<16xf32>,
    %scan3A_42 = arith.constant 5 : i32
    %broadcast_in_dim3A_43 = arith.constant 1.000000e+00 : f32
    %broadcast_in_dim3A_44 = vector.broadcast %broadcast_in_dim3A_43 : f32 to vector<16xf32>
    %mul3A_45 = arith.constant 16 : i32
    %mul3A_46 = arith.muli %scan3A_42, %mul3A_45 : i32
    %swap3A_47 = arith.index_cast %mul3A_46 : i32 to index
    %swap3A_48 = tpu.vector_load %arg5[%swap3A_47] {strides = array<i32>} : memref<128xf32, #tpu.memory_space<vmem>>, vector<16xf32>,
    %swap3A_49 = vector.shape_cast %swap3A_48 : vector<16xf32> to vector<16xf32>
    %swap3A_50 = vector.shape_cast %broadcast_in_dim3A_44 : vector<16xf32> to vector<16xf32>
    tpu.vector_store %arg5[%swap3A_47], %swap3A_50 {strides = array<i32>} : memref<128xf32, #tpu.memory_space<vmem>>, vector<16xf32>,
    %scan3A_51 = arith.constant 6 : i32
    %broadcast_in_dim3A_52 = arith.constant 1.000000e+00 : f32
    %broadcast_in_dim3A_53 = vector.broadcast %broadcast_in_dim3A_52 : f32 to vector<16xf32>
    %mul3A_54 = arith.constant 16 : i32
    %mul3A_55 = arith.muli %scan3A_51, %mul3A_54 : i32
    %swap3A_56 = arith.index_cast %mul3A_55 : i32 to index
    %swap3A_57 = tpu.vector_load %arg5[%swap3A_56] {strides = array<i32>} : memref<128xf32, #tpu.memory_space<vmem>>, vector<16xf32>,
    %swap3A_58 = vector.shape_cast %swap3A_57 : vector<16xf32> to vector<16xf32>
    %swap3A_59 = vector.shape_cast %broadcast_in_dim3A_53 : vector<16xf32> to vector<16xf32>
    tpu.vector_store %arg5[%swap3A_56], %swap3A_59 {strides = array<i32>} : memref<128xf32, #tpu.memory_space<vmem>>, vector<16xf32>,
    %scan3A_60 = arith.constant 7 : i32
    %broadcast_in_dim3A_61 = arith.constant 1.000000e+00 : f32
    %broadcast_in_dim3A_62 = vector.broadcast %broadcast_in_dim3A_61 : f32 to vector<16xf32>
    %mul3A_63 = arith.constant 16 : i32
    %mul3A_64 = arith.muli %scan3A_60, %mul3A_63 : i32
    %swap3A_65 = arith.index_cast %mul3A_64 : i32 to index
    %swap3A_66 = tpu.vector_load %arg5[%swap3A_65] {strides = array<i32>} : memref<128xf32, #tpu.memory_space<vmem>>, vector<16xf32>,
    %swap3A_67 = vector.shape_cast %swap3A_66 : vector<16xf32> to vector<16xf32>
    %swap3A_68 = vector.shape_cast %broadcast_in_dim3A_62 : vector<16xf32> to vector<16xf32>
    tpu.vector_store %arg5[%swap3A_65], %swap3A_68 {strides = array<i32>} : memref<128xf32, #tpu.memory_space<vmem>>, vector<16xf32>,
    %scan3A_69 = arith.constant 8 : i32
    %scan3A_70 = arith.constant 0 : i32
    %scan3A_71 = arith.constant 0 : i32
    %scan3A_72 = arith.constant 516 : i32
    %scan3A_73 = arith.addi %scan3A_71, %scan3A_72 : i32
    %scan3A_74 = arith.constant 1 : i32
    scf.for %scan3A_88 = %scan3A_71 to %scan3A_73 step %scan3A_74  : i32 {
      %broadcast_in_dim3A_89 = arith.constant 0.000000e+00 : f32
      %broadcast_in_dim3A_90 = vector.broadcast %broadcast_in_dim3A_89 : f32 to vector<16xf32>
      %mul3A_91 = arith.constant 16 : i32
      %mul3A_92 = arith.muli %scan3A_88, %mul3A_91 : i32
      %swap3A_93 = arith.index_cast %mul3A_92 : i32 to index
      %swap3A_94 = tpu.vector_load %arg6[%swap3A_93] {strides = array<i32>} : memref<8256xf32, #tpu.memory_space<vmem>>, vector<16xf32>,
      %swap3A_95 = vector.shape_cast %swap3A_94 : vector<16xf32> to vector<16xf32>
      %swap3A_96 = vector.shape_cast %broadcast_in_dim3A_90 : vector<16xf32> to vector<16xf32>
      tpu.vector_store %arg6[%swap3A_93], %swap3A_96 {strides = array<i32>} : memref<8256xf32, #tpu.memory_space<vmem>>, vector<16xf32>,
    }
    %scan3A_75 = arith.constant 516 : i32
    %scan3A_76 = arith.constant 0 : i32
    %scan3A_77 = arith.constant 0 : i32
    %scan3A_78 = arith.constant 16 : i32
    %scan3A_79 = arith.addi %scan3A_77, %scan3A_78 : i32
    %scan3A_80 = arith.constant 1 : i32
    scf.for %scan3A_88 = %scan3A_77 to %scan3A_79 step %scan3A_80  : i32 {
      %mul3A_89 = arith.constant 2113536 : i32
      %mul3A_90 = arith.muli %arg0, %mul3A_89 : i32
      %mul3A_91 = arith.constant 132096 : i32
      %mul3A_92 = arith.muli %arg1, %mul3A_91 : i32
      %add3A = arith.addi %mul3A_90, %mul3A_92 : i32
      %mul3A_93 = arith.constant 8256 : i32
      %mul3A_94 = arith.muli %scan3A_88, %mul3A_93 : i32
      %add3A_95 = arith.addi %add3A, %mul3A_94 : i32
      "tpu.region"() ({
        %run_scoped3A = tpu.sem_alloc : memref<!tpu.dma_semaphore, #tpu.memory_space<semaphore_mem>>
        %dma_start3A = tpu.memref_slice %arg3[%add3A_95] : memref<4227072xf32, #tpu.memory_space<hbm>> -> memref<8256xf32, #tpu.memory_space<hbm>>
        %dma_start3A_96 = tpu.memref_slice %arg3[%add3A_95] : memref<4227072xf32, #tpu.memory_space<hbm>> -> memref<8256xf32, #tpu.memory_space<hbm>>
        tpu.enqueue_dma source(%arg6 : memref<8256xf32, #tpu.memory_space<vmem>>) target(%dma_start3A_96 : memref<8256xf32, #tpu.memory_space<hbm>>) target_semaphore(%run_scoped3A : memref<!tpu.dma_semaphore, #tpu.memory_space<semaphore_mem>>)
        %dma_wait3A = tpu.memref_slice %arg3[%add3A_95] : memref<4227072xf32, #tpu.memory_space<hbm>> -> memref<8256xf32, #tpu.memory_space<hbm>>
        %dma_wait3A_97 = tpu.memref_slice %arg3[%add3A_95] : memref<4227072xf32, #tpu.memory_space<hbm>> -> memref<8256xf32, #tpu.memory_space<hbm>>
        tpu.wait_dma2 semaphore(%run_scoped3A : memref<!tpu.dma_semaphore, #tpu.memory_space<semaphore_mem>>) src(%arg6 : memref<8256xf32, #tpu.memory_space<vmem>>) dst(%dma_wait3A_97 : memref<8256xf32, #tpu.memory_space<hbm>>)
        tpu.yield
      }) : () -> ()
    }
    %scan3A_81 = arith.constant 16 : i32
    %barrier3A = arith.constant 0 : index
    tpu.barrier barrier_id(%barrier3A)
    %scan3A_82 = arith.constant 0 : i32
    %scan3A_83 = arith.constant 0 : i32
    %scan3A_84 = arith.constant 41 : i32
    %scan3A_85 = arith.addi %scan3A_83, %scan3A_84 : i32
    %scan3A_86 = arith.constant 1 : i32
    scf.for %scan3A_88 = %scan3A_83 to %scan3A_85 step %scan3A_86  : i32 {
      %mul3A_89 = arith.constant 24 : i32
      %mul3A_90 = arith.muli %scan3A_88, %mul3A_89 : i32
      "tpu.region"() ({
        %run_scoped3A = tpu.sem_alloc : memref<!tpu.dma_semaphore, #tpu.memory_space<semaphore_mem>>
        %dma_start3A_377 = arith.constant 0 : i32
        %dma_start3A_378 = tpu.memref_slice %arg2[%arg0, %arg1, %mul3A_90, %dma_start3A_377] : memref<2x16x984x128xi32, #tpu.memory_space<hbm>> -> memref<1x1x24x128xi32, #tpu.memory_space<hbm>>
        %dma_start3A_379 = tpu.memref_squeeze %dma_start3A_378 : memref<1x1x24x128xi32, #tpu.memory_space<hbm>> -> memref<24x128xi32, #tpu.memory_space<hbm>>
        %dma_start3A_380 = arith.constant 0 : i32
        %dma_start3A_381 = tpu.memref_slice %arg2[%arg0, %arg1, %mul3A_90, %dma_start3A_380] : memref<2x16x984x128xi32, #tpu.memory_space<hbm>> -> memref<1x1x24x128xi32, #tpu.memory_space<hbm>>
        %dma_start3A_382 = tpu.memref_squeeze %dma_start3A_381 : memref<1x1x24x128xi32, #tpu.memory_space<hbm>> -> memref<24x128xi32, #tpu.memory_space<hbm>>
        tpu.enqueue_dma source(%dma_start3A_382 : memref<24x128xi32, #tpu.memory_space<hbm>>) target(%arg4 : memref<24x128xi32, #tpu.memory_space<vmem>>) target_semaphore(%run_scoped3A : memref<!tpu.dma_semaphore, #tpu.memory_space<semaphore_mem>>)
        %dma_wait3A_383 = arith.constant 0 : i32
        %dma_wait3A_384 = tpu.memref_slice %arg2[%arg0, %arg1, %mul3A_90, %dma_wait3A_383] : memref<2x16x984x128xi32, #tpu.memory_space<hbm>> -> memref<1x1x24x128xi32, #tpu.memory_space<hbm>>
        %dma_wait3A_385 = tpu.memref_squeeze %dma_wait3A_384 : memref<1x1x24x128xi32, #tpu.memory_space<hbm>> -> memref<24x128xi32, #tpu.memory_space<hbm>>
        %dma_wait3A_386 = arith.constant 0 : i32
        %dma_wait3A_387 = tpu.memref_slice %arg2[%arg0, %arg1, %mul3A_90, %dma_wait3A_386] : memref<2x16x984x128xi32, #tpu.memory_space<hbm>> -> memref<1x1x24x128xi32, #tpu.memory_space<hbm>>
        %dma_wait3A_388 = tpu.memref_squeeze %dma_wait3A_387 : memref<1x1x24x128xi32, #tpu.memory_space<hbm>> -> memref<24x128xi32, #tpu.memory_space<hbm>>
        tpu.wait_dma2 semaphore(%run_scoped3A : memref<!tpu.dma_semaphore, #tpu.memory_space<semaphore_mem>>) src(%dma_wait3A_388 : memref<24x128xi32, #tpu.memory_space<hbm>>) dst(%arg4 : memref<24x128xi32, #tpu.memory_space<vmem>>)
        tpu.yield
      }) : () -> ()
      %dma_start3A = arith.constant 0 : i32
      %dma_start3A_91 = arith.constant 0 : i32
      %dma_start3A_92 = tpu.memref_slice %arg4[%dma_start3A, %dma_start3A_91] : memref<24x128xi32, #tpu.memory_space<vmem>> -> memref<1x128xi32, #tpu.memory_space<vmem>>
      %dma_start3A_93 = tpu.memref_squeeze %dma_start3A_92 : memref<1x128xi32, #tpu.memory_space<vmem>> -> memref<128xi32, #tpu.memory_space<vmem>>
      %dma_start3A_94 = arith.constant 0 : i32
      %dma_start3A_95 = tpu.memref_slice %arg3[%dma_start3A_94] : memref<4227072xf32, #tpu.memory_space<hbm>> -> memref<4227072xf32, #tpu.memory_space<hbm>>
      tpu.enqueue_indirect_dma source(%arg5 : memref<128xf32, #tpu.memory_space<vmem>>) target(%dma_start3A_95 : memref<4227072xf32, #tpu.memory_space<hbm>>) offsets(%dma_start3A_93 : memref<128xi32, #tpu.memory_space<vmem>>) semaphore(%arg7 : memref<!tpu.dma_semaphore, #tpu.memory_space<semaphore_mem>>)
      %dma_start3A_96 = arith.constant 1 : i32
      %dma_start3A_97 = arith.constant 0 : i32
      %dma_start3A_98 = tpu.memref_slice %arg4[%dma_start3A_96, %dma_start3A_97] : memref<24x128xi32, #tpu.memory_space<vmem>> -> memref<1x128xi32, #tpu.memory_space<vmem>>
      %dma_start3A_99 = tpu.memref_squeeze %dma_start3A_98 : memref<1x128xi32, #tpu.memory_space<vmem>> -> memref<128xi32, #tpu.memory_space<vmem>>
      %dma_start3A_100 = arith.constant 0 : i32
      %dma_start3A_101 = tpu.memref_slice %arg3[%dma_start3A_100] : memref<4227072xf32, #tpu.memory_space<hbm>> -> memref<4227072xf32, #tpu.memory_space<hbm>>
      tpu.enqueue_indirect_dma source(%arg5 : memref<128xf32, #tpu.memory_space<vmem>>) target(%dma_start3A_101 : memref<4227072xf32, #tpu.memory_space<hbm>>) offsets(%dma_start3A_99 : memref<128xi32, #tpu.memory_space<vmem>>) semaphore(%arg7 : memref<!tpu.dma_semaphore, #tpu.memory_space<semaphore_mem>>)
      %dma_start3A_102 = arith.constant 2 : i32
      %dma_start3A_103 = arith.constant 0 : i32
      %dma_start3A_104 = tpu.memref_slice %arg4[%dma_start3A_102, %dma_start3A_103] : memref<24x128xi32, #tpu.memory_space<vmem>> -> memref<1x128xi32, #tpu.memory_space<vmem>>
      %dma_start3A_105 = tpu.memref_squeeze %dma_start3A_104 : memref<1x128xi32, #tpu.memory_space<vmem>> -> memref<128xi32, #tpu.memory_space<vmem>>
      %dma_start3A_106 = arith.constant 0 : i32
      %dma_start3A_107 = tpu.memref_slice %arg3[%dma_start3A_106] : memref<4227072xf32, #tpu.memory_space<hbm>> -> memref<4227072xf32, #tpu.memory_space<hbm>>
      tpu.enqueue_indirect_dma source(%arg5 : memref<128xf32, #tpu.memory_space<vmem>>) target(%dma_start3A_107 : memref<4227072xf32, #tpu.memory_space<hbm>>) offsets(%dma_start3A_105 : memref<128xi32, #tpu.memory_space<vmem>>) semaphore(%arg7 : memref<!tpu.dma_semaphore, #tpu.memory_space<semaphore_mem>>)
      %dma_start3A_108 = arith.constant 3 : i32
      %dma_start3A_109 = arith.constant 0 : i32
      %dma_start3A_110 = tpu.memref_slice %arg4[%dma_start3A_108, %dma_start3A_109] : memref<24x128xi32, #tpu.memory_space<vmem>> -> memref<1x128xi32, #tpu.memory_space<vmem>>
      %dma_start3A_111 = tpu.memref_squeeze %dma_start3A_110 : memref<1x128xi32, #tpu.memory_space<vmem>> -> memref<128xi32, #tpu.memory_space<vmem>>
      %dma_start3A_112 = arith.constant 0 : i32
      %dma_start3A_113 = tpu.memref_slice %arg3[%dma_start3A_112] : memref<4227072xf32, #tpu.memory_space<hbm>> -> memref<4227072xf32, #tpu.memory_space<hbm>>
      tpu.enqueue_indirect_dma source(%arg5 : memref<128xf32, #tpu.memory_space<vmem>>) target(%dma_start3A_113 : memref<4227072xf32, #tpu.memory_space<hbm>>) offsets(%dma_start3A_111 : memref<128xi32, #tpu.memory_space<vmem>>) semaphore(%arg7 : memref<!tpu.dma_semaphore, #tpu.memory_space<semaphore_mem>>)
      %dma_start3A_114 = arith.constant 4 : i32
      %dma_start3A_115 = arith.constant 0 : i32
      %dma_start3A_116 = tpu.memref_slice %arg4[%dma_start3A_114, %dma_start3A_115] : memref<24x128xi32, #tpu.memory_space<vmem>> -> memref<1x128xi32, #tpu.memory_space<vmem>>
      %dma_start3A_117 = tpu.memref_squeeze %dma_start3A_116 : memref<1x128xi32, #tpu.memory_space<vmem>> -> memref<128xi32, #tpu.memory_space<vmem>>
      %dma_start3A_118 = arith.constant 0 : i32
      %dma_start3A_119 = tpu.memref_slice %arg3[%dma_start3A_118] : memref<4227072xf32, #tpu.memory_space<hbm>> -> memref<4227072xf32, #tpu.memory_space<hbm>>
      tpu.enqueue_indirect_dma source(%arg5 : memref<128xf32, #tpu.memory_space<vmem>>) target(%dma_start3A_119 : memref<4227072xf32, #tpu.memory_space<hbm>>) offsets(%dma_start3A_117 : memref<128xi32, #tpu.memory_space<vmem>>) semaphore(%arg7 : memref<!tpu.dma_semaphore, #tpu.memory_space<semaphore_mem>>)
      %dma_start3A_120 = arith.constant 5 : i32
      %dma_start3A_121 = arith.constant 0 : i32
      %dma_start3A_122 = tpu.memref_slice %arg4[%dma_start3A_120, %dma_start3A_121] : memref<24x128xi32, #tpu.memory_space<vmem>> -> memref<1x128xi32, #tpu.memory_space<vmem>>
      %dma_start3A_123 = tpu.memref_squeeze %dma_start3A_122 : memref<1x128xi32, #tpu.memory_space<vmem>> -> memref<128xi32, #tpu.memory_space<vmem>>
      %dma_start3A_124 = arith.constant 0 : i32
      %dma_start3A_125 = tpu.memref_slice %arg3[%dma_start3A_124] : memref<4227072xf32, #tpu.memory_space<hbm>> -> memref<4227072xf32, #tpu.memory_space<hbm>>
      tpu.enqueue_indirect_dma source(%arg5 : memref<128xf32, #tpu.memory_space<vmem>>) target(%dma_start3A_125 : memref<4227072xf32, #tpu.memory_space<hbm>>) offsets(%dma_start3A_123 : memref<128xi32, #tpu.memory_space<vmem>>) semaphore(%arg7 : memref<!tpu.dma_semaphore, #tpu.memory_space<semaphore_mem>>)
      %dma_start3A_126 = arith.constant 6 : i32
      %dma_start3A_127 = arith.constant 0 : i32
      %dma_start3A_128 = tpu.memref_slice %arg4[%dma_start3A_126, %dma_start3A_127] : memref<24x128xi32, #tpu.memory_space<vmem>> -> memref<1x128xi32, #tpu.memory_space<vmem>>
      %dma_start3A_129 = tpu.memref_squeeze %dma_start3A_128 : memref<1x128xi32, #tpu.memory_space<vmem>> -> memref<128xi32, #tpu.memory_space<vmem>>
      %dma_start3A_130 = arith.constant 0 : i32
      %dma_start3A_131 = tpu.memref_slice %arg3[%dma_start3A_130] : memref<4227072xf32, #tpu.memory_space<hbm>> -> memref<4227072xf32, #tpu.memory_space<hbm>>
      tpu.enqueue_indirect_dma source(%arg5 : memref<128xf32, #tpu.memory_space<vmem>>) target(%dma_start3A_131 : memref<4227072xf32, #tpu.memory_space<hbm>>) offsets(%dma_start3A_129 : memref<128xi32, #tpu.memory_space<vmem>>) semaphore(%arg7 : memref<!tpu.dma_semaphore, #tpu.memory_space<semaphore_mem>>)
      %dma_start3A_132 = arith.constant 7 : i32
      %dma_start3A_133 = arith.constant 0 : i32
      %dma_start3A_134 = tpu.memref_slice %arg4[%dma_start3A_132, %dma_start3A_133] : memref<24x128xi32, #tpu.memory_space<vmem>> -> memref<1x128xi32, #tpu.memory_space<vmem>>
      %dma_start3A_135 = tpu.memref_squeeze %dma_start3A_134 : memref<1x128xi32, #tpu.memory_space<vmem>> -> memref<128xi32, #tpu.memory_space<vmem>>
      %dma_start3A_136 = arith.constant 0 : i32
      %dma_start3A_137 = tpu.memref_slice %arg3[%dma_start3A_136] : memref<4227072xf32, #tpu.memory_space<hbm>> -> memref<4227072xf32, #tpu.memory_space<hbm>>
      tpu.enqueue_indirect_dma source(%arg5 : memref<128xf32, #tpu.memory_space<vmem>>) target(%dma_start3A_137 : memref<4227072xf32, #tpu.memory_space<hbm>>) offsets(%dma_start3A_135 : memref<128xi32, #tpu.memory_space<vmem>>) semaphore(%arg7 : memref<!tpu.dma_semaphore, #tpu.memory_space<semaphore_mem>>)
      %dma_start3A_138 = arith.constant 8 : i32
      %dma_start3A_139 = arith.constant 0 : i32
      %dma_start3A_140 = tpu.memref_slice %arg4[%dma_start3A_138, %dma_start3A_139] : memref<24x128xi32, #tpu.memory_space<vmem>> -> memref<1x128xi32, #tpu.memory_space<vmem>>
      %dma_start3A_141 = tpu.memref_squeeze %dma_start3A_140 : memref<1x128xi32, #tpu.memory_space<vmem>> -> memref<128xi32, #tpu.memory_space<vmem>>
      %dma_start3A_142 = arith.constant 0 : i32
      %dma_start3A_143 = tpu.memref_slice %arg3[%dma_start3A_142] : memref<4227072xf32, #tpu.memory_space<hbm>> -> memref<4227072xf32, #tpu.memory_space<hbm>>
      tpu.enqueue_indirect_dma source(%arg5 : memref<128xf32, #tpu.memory_space<vmem>>) target(%dma_start3A_143 : memref<4227072xf32, #tpu.memory_space<hbm>>) offsets(%dma_start3A_141 : memref<128xi32, #tpu.memory_space<vmem>>) semaphore(%arg7 : memref<!tpu.dma_semaphore, #tpu.memory_space<semaphore_mem>>)
      %dma_start3A_144 = arith.constant 9 : i32
      %dma_start3A_145 = arith.constant 0 : i32
      %dma_start3A_146 = tpu.memref_slice %arg4[%dma_start3A_144, %dma_start3A_145] : memref<24x128xi32, #tpu.memory_space<vmem>> -> memref<1x128xi32, #tpu.memory_space<vmem>>
      %dma_start3A_147 = tpu.memref_squeeze %dma_start3A_146 : memref<1x128xi32, #tpu.memory_space<vmem>> -> memref<128xi32, #tpu.memory_space<vmem>>
      %dma_start3A_148 = arith.constant 0 : i32
      %dma_start3A_149 = tpu.memref_slice %arg3[%dma_start3A_148] : memref<4227072xf32, #tpu.memory_space<hbm>> -> memref<4227072xf32, #tpu.memory_space<hbm>>
      tpu.enqueue_indirect_dma source(%arg5 : memref<128xf32, #tpu.memory_space<vmem>>) target(%dma_start3A_149 : memref<4227072xf32, #tpu.memory_space<hbm>>) offsets(%dma_start3A_147 : memref<128xi32, #tpu.memory_space<vmem>>) semaphore(%arg7 : memref<!tpu.dma_semaphore, #tpu.memory_space<semaphore_mem>>)
      %dma_start3A_150 = arith.constant 10 : i32
      %dma_start3A_151 = arith.constant 0 : i32
      %dma_start3A_152 = tpu.memref_slice %arg4[%dma_start3A_150, %dma_start3A_151] : memref<24x128xi32, #tpu.memory_space<vmem>> -> memref<1x128xi32, #tpu.memory_space<vmem>>
      %dma_start3A_153 = tpu.memref_squeeze %dma_start3A_152 : memref<1x128xi32, #tpu.memory_space<vmem>> -> memref<128xi32, #tpu.memory_space<vmem>>
      %dma_start3A_154 = arith.constant 0 : i32
      %dma_start3A_155 = tpu.memref_slice %arg3[%dma_start3A_154] : memref<4227072xf32, #tpu.memory_space<hbm>> -> memref<4227072xf32, #tpu.memory_space<hbm>>
      tpu.enqueue_indirect_dma source(%arg5 : memref<128xf32, #tpu.memory_space<vmem>>) target(%dma_start3A_155 : memref<4227072xf32, #tpu.memory_space<hbm>>) offsets(%dma_start3A_153 : memref<128xi32, #tpu.memory_space<vmem>>) semaphore(%arg7 : memref<!tpu.dma_semaphore, #tpu.memory_space<semaphore_mem>>)
      %dma_start3A_156 = arith.constant 11 : i32
      %dma_start3A_157 = arith.constant 0 : i32
      %dma_start3A_158 = tpu.memref_slice %arg4[%dma_start3A_156, %dma_start3A_157] : memref<24x128xi32, #tpu.memory_space<vmem>> -> memref<1x128xi32, #tpu.memory_space<vmem>>
      %dma_start3A_159 = tpu.memref_squeeze %dma_start3A_158 : memref<1x128xi32, #tpu.memory_space<vmem>> -> memref<128xi32, #tpu.memory_space<vmem>>
      %dma_start3A_160 = arith.constant 0 : i32
      %dma_start3A_161 = tpu.memref_slice %arg3[%dma_start3A_160] : memref<4227072xf32, #tpu.memory_space<hbm>> -> memref<4227072xf32, #tpu.memory_space<hbm>>
      tpu.enqueue_indirect_dma source(%arg5 : memref<128xf32, #tpu.memory_space<vmem>>) target(%dma_start3A_161 : memref<4227072xf32, #tpu.memory_space<hbm>>) offsets(%dma_start3A_159 : memref<128xi32, #tpu.memory_space<vmem>>) semaphore(%arg7 : memref<!tpu.dma_semaphore, #tpu.memory_space<semaphore_mem>>)
      %dma_start3A_162 = arith.constant 12 : i32
      %dma_start3A_163 = arith.constant 0 : i32
      %dma_start3A_164 = tpu.memref_slice %arg4[%dma_start3A_162, %dma_start3A_163] : memref<24x128xi32, #tpu.memory_space<vmem>> -> memref<1x128xi32, #tpu.memory_space<vmem>>
      %dma_start3A_165 = tpu.memref_squeeze %dma_start3A_164 : memref<1x128xi32, #tpu.memory_space<vmem>> -> memref<128xi32, #tpu.memory_space<vmem>>
      %dma_start3A_166 = arith.constant 0 : i32
      %dma_start3A_167 = tpu.memref_slice %arg3[%dma_start3A_166] : memref<4227072xf32, #tpu.memory_space<hbm>> -> memref<4227072xf32, #tpu.memory_space<hbm>>
      tpu.enqueue_indirect_dma source(%arg5 : memref<128xf32, #tpu.memory_space<vmem>>) target(%dma_start3A_167 : memref<4227072xf32, #tpu.memory_space<hbm>>) offsets(%dma_start3A_165 : memref<128xi32, #tpu.memory_space<vmem>>) semaphore(%arg7 : memref<!tpu.dma_semaphore, #tpu.memory_space<semaphore_mem>>)
      %dma_start3A_168 = arith.constant 13 : i32
      %dma_start3A_169 = arith.constant 0 : i32
      %dma_start3A_170 = tpu.memref_slice %arg4[%dma_start3A_168, %dma_start3A_169] : memref<24x128xi32, #tpu.memory_space<vmem>> -> memref<1x128xi32, #tpu.memory_space<vmem>>
      %dma_start3A_171 = tpu.memref_squeeze %dma_start3A_170 : memref<1x128xi32, #tpu.memory_space<vmem>> -> memref<128xi32, #tpu.memory_space<vmem>>
      %dma_start3A_172 = arith.constant 0 : i32
      %dma_start3A_173 = tpu.memref_slice %arg3[%dma_start3A_172] : memref<4227072xf32, #tpu.memory_space<hbm>> -> memref<4227072xf32, #tpu.memory_space<hbm>>
      tpu.enqueue_indirect_dma source(%arg5 : memref<128xf32, #tpu.memory_space<vmem>>) target(%dma_start3A_173 : memref<4227072xf32, #tpu.memory_space<hbm>>) offsets(%dma_start3A_171 : memref<128xi32, #tpu.memory_space<vmem>>) semaphore(%arg7 : memref<!tpu.dma_semaphore, #tpu.memory_space<semaphore_mem>>)
      %dma_start3A_174 = arith.constant 14 : i32
      %dma_start3A_175 = arith.constant 0 : i32
      %dma_start3A_176 = tpu.memref_slice %arg4[%dma_start3A_174, %dma_start3A_175] : memref<24x128xi32, #tpu.memory_space<vmem>> -> memref<1x128xi32, #tpu.memory_space<vmem>>
      %dma_start3A_177 = tpu.memref_squeeze %dma_start3A_176 : memref<1x128xi32, #tpu.memory_space<vmem>> -> memref<128xi32, #tpu.memory_space<vmem>>
      %dma_start3A_178 = arith.constant 0 : i32
      %dma_start3A_179 = tpu.memref_slice %arg3[%dma_start3A_178] : memref<4227072xf32, #tpu.memory_space<hbm>> -> memref<4227072xf32, #tpu.memory_space<hbm>>
      tpu.enqueue_indirect_dma source(%arg5 : memref<128xf32, #tpu.memory_space<vmem>>) target(%dma_start3A_179 : memref<4227072xf32, #tpu.memory_space<hbm>>) offsets(%dma_start3A_177 : memref<128xi32, #tpu.memory_space<vmem>>) semaphore(%arg7 : memref<!tpu.dma_semaphore, #tpu.memory_space<semaphore_mem>>)
      %dma_start3A_180 = arith.constant 15 : i32
      %dma_start3A_181 = arith.constant 0 : i32
      %dma_start3A_182 = tpu.memref_slice %arg4[%dma_start3A_180, %dma_start3A_181] : memref<24x128xi32, #tpu.memory_space<vmem>> -> memref<1x128xi32, #tpu.memory_space<vmem>>
      %dma_start3A_183 = tpu.memref_squeeze %dma_start3A_182 : memref<1x128xi32, #tpu.memory_space<vmem>> -> memref<128xi32, #tpu.memory_space<vmem>>
      %dma_start3A_184 = arith.constant 0 : i32
      %dma_start3A_185 = tpu.memref_slice %arg3[%dma_start3A_184] : memref<4227072xf32, #tpu.memory_space<hbm>> -> memref<4227072xf32, #tpu.memory_space<hbm>>
      tpu.enqueue_indirect_dma source(%arg5 : memref<128xf32, #tpu.memory_space<vmem>>) target(%dma_start3A_185 : memref<4227072xf32, #tpu.memory_space<hbm>>) offsets(%dma_start3A_183 : memref<128xi32, #tpu.memory_space<vmem>>) semaphore(%arg7 : memref<!tpu.dma_semaphore, #tpu.memory_space<semaphore_mem>>)
      %dma_start3A_186 = arith.constant 16 : i32
      %dma_start3A_187 = arith.constant 0 : i32
      %dma_start3A_188 = tpu.memref_slice %arg4[%dma_start3A_186, %dma_start3A_187] : memref<24x128xi32, #tpu.memory_space<vmem>> -> memref<1x128xi32, #tpu.memory_space<vmem>>
      %dma_start3A_189 = tpu.memref_squeeze %dma_start3A_188 : memref<1x128xi32, #tpu.memory_space<vmem>> -> memref<128xi32, #tpu.memory_space<vmem>>
      %dma_start3A_190 = arith.constant 0 : i32
      %dma_start3A_191 = tpu.memref_slice %arg3[%dma_start3A_190] : memref<4227072xf32, #tpu.memory_space<hbm>> -> memref<4227072xf32, #tpu.memory_space<hbm>>
      tpu.enqueue_indirect_dma source(%arg5 : memref<128xf32, #tpu.memory_space<vmem>>) target(%dma_start3A_191 : memref<4227072xf32, #tpu.memory_space<hbm>>) offsets(%dma_start3A_189 : memref<128xi32, #tpu.memory_space<vmem>>) semaphore(%arg7 : memref<!tpu.dma_semaphore, #tpu.memory_space<semaphore_mem>>)
      %dma_start3A_192 = arith.constant 17 : i32
      %dma_start3A_193 = arith.constant 0 : i32
      %dma_start3A_194 = tpu.memref_slice %arg4[%dma_start3A_192, %dma_start3A_193] : memref<24x128xi32, #tpu.memory_space<vmem>> -> memref<1x128xi32, #tpu.memory_space<vmem>>
      %dma_start3A_195 = tpu.memref_squeeze %dma_start3A_194 : memref<1x128xi32, #tpu.memory_space<vmem>> -> memref<128xi32, #tpu.memory_space<vmem>>
      %dma_start3A_196 = arith.constant 0 : i32
      %dma_start3A_197 = tpu.memref_slice %arg3[%dma_start3A_196] : memref<4227072xf32, #tpu.memory_space<hbm>> -> memref<4227072xf32, #tpu.memory_space<hbm>>
      tpu.enqueue_indirect_dma source(%arg5 : memref<128xf32, #tpu.memory_space<vmem>>) target(%dma_start3A_197 : memref<4227072xf32, #tpu.memory_space<hbm>>) offsets(%dma_start3A_195 : memref<128xi32, #tpu.memory_space<vmem>>) semaphore(%arg7 : memref<!tpu.dma_semaphore, #tpu.memory_space<semaphore_mem>>)
      %dma_start3A_198 = arith.constant 18 : i32
      %dma_start3A_199 = arith.constant 0 : i32
      %dma_start3A_200 = tpu.memref_slice %arg4[%dma_start3A_198, %dma_start3A_199] : memref<24x128xi32, #tpu.memory_space<vmem>> -> memref<1x128xi32, #tpu.memory_space<vmem>>
      %dma_start3A_201 = tpu.memref_squeeze %dma_start3A_200 : memref<1x128xi32, #tpu.memory_space<vmem>> -> memref<128xi32, #tpu.memory_space<vmem>>
      %dma_start3A_202 = arith.constant 0 : i32
      %dma_start3A_203 = tpu.memref_slice %arg3[%dma_start3A_202] : memref<4227072xf32, #tpu.memory_space<hbm>> -> memref<4227072xf32, #tpu.memory_space<hbm>>
      tpu.enqueue_indirect_dma source(%arg5 : memref<128xf32, #tpu.memory_space<vmem>>) target(%dma_start3A_203 : memref<4227072xf32, #tpu.memory_space<hbm>>) offsets(%dma_start3A_201 : memref<128xi32, #tpu.memory_space<vmem>>) semaphore(%arg7 : memref<!tpu.dma_semaphore, #tpu.memory_space<semaphore_mem>>)
      %dma_start3A_204 = arith.constant 19 : i32
      %dma_start3A_205 = arith.constant 0 : i32
      %dma_start3A_206 = tpu.memref_slice %arg4[%dma_start3A_204, %dma_start3A_205] : memref<24x128xi32, #tpu.memory_space<vmem>> -> memref<1x128xi32, #tpu.memory_space<vmem>>
      %dma_start3A_207 = tpu.memref_squeeze %dma_start3A_206 : memref<1x128xi32, #tpu.memory_space<vmem>> -> memref<128xi32, #tpu.memory_space<vmem>>
      %dma_start3A_208 = arith.constant 0 : i32
      %dma_start3A_209 = tpu.memref_slice %arg3[%dma_start3A_208] : memref<4227072xf32, #tpu.memory_space<hbm>> -> memref<4227072xf32, #tpu.memory_space<hbm>>
      tpu.enqueue_indirect_dma source(%arg5 : memref<128xf32, #tpu.memory_space<vmem>>) target(%dma_start3A_209 : memref<4227072xf32, #tpu.memory_space<hbm>>) offsets(%dma_start3A_207 : memref<128xi32, #tpu.memory_space<vmem>>) semaphore(%arg7 : memref<!tpu.dma_semaphore, #tpu.memory_space<semaphore_mem>>)
      %dma_start3A_210 = arith.constant 20 : i32
      %dma_start3A_211 = arith.constant 0 : i32
      %dma_start3A_212 = tpu.memref_slice %arg4[%dma_start3A_210, %dma_start3A_211] : memref<24x128xi32, #tpu.memory_space<vmem>> -> memref<1x128xi32, #tpu.memory_space<vmem>>
      %dma_start3A_213 = tpu.memref_squeeze %dma_start3A_212 : memref<1x128xi32, #tpu.memory_space<vmem>> -> memref<128xi32, #tpu.memory_space<vmem>>
      %dma_start3A_214 = arith.constant 0 : i32
      %dma_start3A_215 = tpu.memref_slice %arg3[%dma_start3A_214] : memref<4227072xf32, #tpu.memory_space<hbm>> -> memref<4227072xf32, #tpu.memory_space<hbm>>
      tpu.enqueue_indirect_dma source(%arg5 : memref<128xf32, #tpu.memory_space<vmem>>) target(%dma_start3A_215 : memref<4227072xf32, #tpu.memory_space<hbm>>) offsets(%dma_start3A_213 : memref<128xi32, #tpu.memory_space<vmem>>) semaphore(%arg7 : memref<!tpu.dma_semaphore, #tpu.memory_space<semaphore_mem>>)
      %dma_start3A_216 = arith.constant 21 : i32
      %dma_start3A_217 = arith.constant 0 : i32
      %dma_start3A_218 = tpu.memref_slice %arg4[%dma_start3A_216, %dma_start3A_217] : memref<24x128xi32, #tpu.memory_space<vmem>> -> memref<1x128xi32, #tpu.memory_space<vmem>>
      %dma_start3A_219 = tpu.memref_squeeze %dma_start3A_218 : memref<1x128xi32, #tpu.memory_space<vmem>> -> memref<128xi32, #tpu.memory_space<vmem>>
      %dma_start3A_220 = arith.constant 0 : i32
      %dma_start3A_221 = tpu.memref_slice %arg3[%dma_start3A_220] : memref<4227072xf32, #tpu.memory_space<hbm>> -> memref<4227072xf32, #tpu.memory_space<hbm>>
      tpu.enqueue_indirect_dma source(%arg5 : memref<128xf32, #tpu.memory_space<vmem>>) target(%dma_start3A_221 : memref<4227072xf32, #tpu.memory_space<hbm>>) offsets(%dma_start3A_219 : memref<128xi32, #tpu.memory_space<vmem>>) semaphore(%arg7 : memref<!tpu.dma_semaphore, #tpu.memory_space<semaphore_mem>>)
      %dma_start3A_222 = arith.constant 22 : i32
      %dma_start3A_223 = arith.constant 0 : i32
      %dma_start3A_224 = tpu.memref_slice %arg4[%dma_start3A_222, %dma_start3A_223] : memref<24x128xi32, #tpu.memory_space<vmem>> -> memref<1x128xi32, #tpu.memory_space<vmem>>
      %dma_start3A_225 = tpu.memref_squeeze %dma_start3A_224 : memref<1x128xi32, #tpu.memory_space<vmem>> -> memref<128xi32, #tpu.memory_space<vmem>>
      %dma_start3A_226 = arith.constant 0 : i32
      %dma_start3A_227 = tpu.memref_slice %arg3[%dma_start3A_226] : memref<4227072xf32, #tpu.memory_space<hbm>> -> memref<4227072xf32, #tpu.memory_space<hbm>>
      tpu.enqueue_indirect_dma source(%arg5 : memref<128xf32, #tpu.memory_space<vmem>>) target(%dma_start3A_227 : memref<4227072xf32, #tpu.memory_space<hbm>>) offsets(%dma_start3A_225 : memref<128xi32, #tpu.memory_space<vmem>>) semaphore(%arg7 : memref<!tpu.dma_semaphore, #tpu.memory_space<semaphore_mem>>)
      %dma_start3A_228 = arith.constant 23 : i32
      %dma_start3A_229 = arith.constant 0 : i32
      %dma_start3A_230 = tpu.memref_slice %arg4[%dma_start3A_228, %dma_start3A_229] : memref<24x128xi32, #tpu.memory_space<vmem>> -> memref<1x128xi32, #tpu.memory_space<vmem>>
      %dma_start3A_231 = tpu.memref_squeeze %dma_start3A_230 : memref<1x128xi32, #tpu.memory_space<vmem>> -> memref<128xi32, #tpu.memory_space<vmem>>
      %dma_start3A_232 = arith.constant 0 : i32
      %dma_start3A_233 = tpu.memref_slice %arg3[%dma_start3A_232] : memref<4227072xf32, #tpu.memory_space<hbm>> -> memref<4227072xf32, #tpu.memory_space<hbm>>
      tpu.enqueue_indirect_dma source(%arg5 : memref<128xf32, #tpu.memory_space<vmem>>) target(%dma_start3A_233 : memref<4227072xf32, #tpu.memory_space<hbm>>) offsets(%dma_start3A_231 : memref<128xi32, #tpu.memory_space<vmem>>) semaphore(%arg7 : memref<!tpu.dma_semaphore, #tpu.memory_space<semaphore_mem>>)
      %dma_wait3A = arith.constant 0 : i32
      %dma_wait3A_234 = arith.constant 0 : i32
      %dma_wait3A_235 = tpu.memref_slice %arg4[%dma_wait3A, %dma_wait3A_234] : memref<24x128xi32, #tpu.memory_space<vmem>> -> memref<1x128xi32, #tpu.memory_space<vmem>>
      %dma_wait3A_236 = tpu.memref_squeeze %dma_wait3A_235 : memref<1x128xi32, #tpu.memory_space<vmem>> -> memref<128xi32, #tpu.memory_space<vmem>>
      %dma_wait3A_237 = arith.constant 0 : i32
      %dma_wait3A_238 = tpu.memref_slice %arg3[%dma_wait3A_237] : memref<4227072xf32, #tpu.memory_space<hbm>> -> memref<4227072xf32, #tpu.memory_space<hbm>>
      tpu.wait_indirect_dma semaphore(%arg7 : memref<!tpu.dma_semaphore, #tpu.memory_space<semaphore_mem>>) src(%arg5 : memref<128xf32, #tpu.memory_space<vmem>>) dst(%dma_wait3A_238 : memref<4227072xf32, #tpu.memory_space<hbm>>)
      %dma_wait3A_239 = arith.constant 1 : i32
      %dma_wait3A_240 = arith.constant 0 : i32
      %dma_wait3A_241 = tpu.memref_slice %arg4[%dma_wait3A_239, %dma_wait3A_240] : memref<24x128xi32, #tpu.memory_space<vmem>> -> memref<1x128xi32, #tpu.memory_space<vmem>>
      %dma_wait3A_242 = tpu.memref_squeeze %dma_wait3A_241 : memref<1x128xi32, #tpu.memory_space<vmem>> -> memref<128xi32, #tpu.memory_space<vmem>>
      %dma_wait3A_243 = arith.constant 0 : i32
      %dma_wait3A_244 = tpu.memref_slice %arg3[%dma_wait3A_243] : memref<4227072xf32, #tpu.memory_space<hbm>> -> memref<4227072xf32, #tpu.memory_space<hbm>>
      tpu.wait_indirect_dma semaphore(%arg7 : memref<!tpu.dma_semaphore, #tpu.memory_space<semaphore_mem>>) src(%arg5 : memref<128xf32, #tpu.memory_space<vmem>>) dst(%dma_wait3A_244 : memref<4227072xf32, #tpu.memory_space<hbm>>)
      %dma_wait3A_245 = arith.constant 2 : i32
      %dma_wait3A_246 = arith.constant 0 : i32
      %dma_wait3A_247 = tpu.memref_slice %arg4[%dma_wait3A_245, %dma_wait3A_246] : memref<24x128xi32, #tpu.memory_space<vmem>> -> memref<1x128xi32, #tpu.memory_space<vmem>>
      %dma_wait3A_248 = tpu.memref_squeeze %dma_wait3A_247 : memref<1x128xi32, #tpu.memory_space<vmem>> -> memref<128xi32, #tpu.memory_space<vmem>>
      %dma_wait3A_249 = arith.constant 0 : i32
      %dma_wait3A_250 = tpu.memref_slice %arg3[%dma_wait3A_249] : memref<4227072xf32, #tpu.memory_space<hbm>> -> memref<4227072xf32, #tpu.memory_space<hbm>>
      tpu.wait_indirect_dma semaphore(%arg7 : memref<!tpu.dma_semaphore, #tpu.memory_space<semaphore_mem>>) src(%arg5 : memref<128xf32, #tpu.memory_space<vmem>>) dst(%dma_wait3A_250 : memref<4227072xf32, #tpu.memory_space<hbm>>)
      %dma_wait3A_251 = arith.constant 3 : i32
      %dma_wait3A_252 = arith.constant 0 : i32
      %dma_wait3A_253 = tpu.memref_slice %arg4[%dma_wait3A_251, %dma_wait3A_252] : memref<24x128xi32, #tpu.memory_space<vmem>> -> memref<1x128xi32, #tpu.memory_space<vmem>>
      %dma_wait3A_254 = tpu.memref_squeeze %dma_wait3A_253 : memref<1x128xi32, #tpu.memory_space<vmem>> -> memref<128xi32, #tpu.memory_space<vmem>>
      %dma_wait3A_255 = arith.constant 0 : i32
      %dma_wait3A_256 = tpu.memref_slice %arg3[%dma_wait3A_255] : memref<4227072xf32, #tpu.memory_space<hbm>> -> memref<4227072xf32, #tpu.memory_space<hbm>>
      tpu.wait_indirect_dma semaphore(%arg7 : memref<!tpu.dma_semaphore, #tpu.memory_space<semaphore_mem>>) src(%arg5 : memref<128xf32, #tpu.memory_space<vmem>>) dst(%dma_wait3A_256 : memref<4227072xf32, #tpu.memory_space<hbm>>)
      %dma_wait3A_257 = arith.constant 4 : i32
      %dma_wait3A_258 = arith.constant 0 : i32
      %dma_wait3A_259 = tpu.memref_slice %arg4[%dma_wait3A_257, %dma_wait3A_258] : memref<24x128xi32, #tpu.memory_space<vmem>> -> memref<1x128xi32, #tpu.memory_space<vmem>>
      %dma_wait3A_260 = tpu.memref_squeeze %dma_wait3A_259 : memref<1x128xi32, #tpu.memory_space<vmem>> -> memref<128xi32, #tpu.memory_space<vmem>>
      %dma_wait3A_261 = arith.constant 0 : i32
      %dma_wait3A_262 = tpu.memref_slice %arg3[%dma_wait3A_261] : memref<4227072xf32, #tpu.memory_space<hbm>> -> memref<4227072xf32, #tpu.memory_space<hbm>>
      tpu.wait_indirect_dma semaphore(%arg7 : memref<!tpu.dma_semaphore, #tpu.memory_space<semaphore_mem>>) src(%arg5 : memref<128xf32, #tpu.memory_space<vmem>>) dst(%dma_wait3A_262 : memref<4227072xf32, #tpu.memory_space<hbm>>)
      %dma_wait3A_263 = arith.constant 5 : i32
      %dma_wait3A_264 = arith.constant 0 : i32
      %dma_wait3A_265 = tpu.memref_slice %arg4[%dma_wait3A_263, %dma_wait3A_264] : memref<24x128xi32, #tpu.memory_space<vmem>> -> memref<1x128xi32, #tpu.memory_space<vmem>>
      %dma_wait3A_266 = tpu.memref_squeeze %dma_wait3A_265 : memref<1x128xi32, #tpu.memory_space<vmem>> -> memref<128xi32, #tpu.memory_space<vmem>>
      %dma_wait3A_267 = arith.constant 0 : i32
      %dma_wait3A_268 = tpu.memref_slice %arg3[%dma_wait3A_267] : memref<4227072xf32, #tpu.memory_space<hbm>> -> memref<4227072xf32, #tpu.memory_space<hbm>>
      tpu.wait_indirect_dma semaphore(%arg7 : memref<!tpu.dma_semaphore, #tpu.memory_space<semaphore_mem>>) src(%arg5 : memref<128xf32, #tpu.memory_space<vmem>>) dst(%dma_wait3A_268 : memref<4227072xf32, #tpu.memory_space<hbm>>)
      %dma_wait3A_269 = arith.constant 6 : i32
      %dma_wait3A_270 = arith.constant 0 : i32
      %dma_wait3A_271 = tpu.memref_slice %arg4[%dma_wait3A_269, %dma_wait3A_270] : memref<24x128xi32, #tpu.memory_space<vmem>> -> memref<1x128xi32, #tpu.memory_space<vmem>>
      %dma_wait3A_272 = tpu.memref_squeeze %dma_wait3A_271 : memref<1x128xi32, #tpu.memory_space<vmem>> -> memref<128xi32, #tpu.memory_space<vmem>>
      %dma_wait3A_273 = arith.constant 0 : i32
      %dma_wait3A_274 = tpu.memref_slice %arg3[%dma_wait3A_273] : memref<4227072xf32, #tpu.memory_space<hbm>> -> memref<4227072xf32, #tpu.memory_space<hbm>>
      tpu.wait_indirect_dma semaphore(%arg7 : memref<!tpu.dma_semaphore, #tpu.memory_space<semaphore_mem>>) src(%arg5 : memref<128xf32, #tpu.memory_space<vmem>>) dst(%dma_wait3A_274 : memref<4227072xf32, #tpu.memory_space<hbm>>)
      %dma_wait3A_275 = arith.constant 7 : i32
      %dma_wait3A_276 = arith.constant 0 : i32
      %dma_wait3A_277 = tpu.memref_slice %arg4[%dma_wait3A_275, %dma_wait3A_276] : memref<24x128xi32, #tpu.memory_space<vmem>> -> memref<1x128xi32, #tpu.memory_space<vmem>>
      %dma_wait3A_278 = tpu.memref_squeeze %dma_wait3A_277 : memref<1x128xi32, #tpu.memory_space<vmem>> -> memref<128xi32, #tpu.memory_space<vmem>>
      %dma_wait3A_279 = arith.constant 0 : i32
      %dma_wait3A_280 = tpu.memref_slice %arg3[%dma_wait3A_279] : memref<4227072xf32, #tpu.memory_space<hbm>> -> memref<4227072xf32, #tpu.memory_space<hbm>>
      tpu.wait_indirect_dma semaphore(%arg7 : memref<!tpu.dma_semaphore, #tpu.memory_space<semaphore_mem>>) src(%arg5 : memref<128xf32, #tpu.memory_space<vmem>>) dst(%dma_wait3A_280 : memref<4227072xf32, #tpu.memory_space<hbm>>)
      %dma_wait3A_281 = arith.constant 8 : i32
      %dma_wait3A_282 = arith.constant 0 : i32
      %dma_wait3A_283 = tpu.memref_slice %arg4[%dma_wait3A_281, %dma_wait3A_282] : memref<24x128xi32, #tpu.memory_space<vmem>> -> memref<1x128xi32, #tpu.memory_space<vmem>>
      %dma_wait3A_284 = tpu.memref_squeeze %dma_wait3A_283 : memref<1x128xi32, #tpu.memory_space<vmem>> -> memref<128xi32, #tpu.memory_space<vmem>>
      %dma_wait3A_285 = arith.constant 0 : i32
      %dma_wait3A_286 = tpu.memref_slice %arg3[%dma_wait3A_285] : memref<4227072xf32, #tpu.memory_space<hbm>> -> memref<4227072xf32, #tpu.memory_space<hbm>>
      tpu.wait_indirect_dma semaphore(%arg7 : memref<!tpu.dma_semaphore, #tpu.memory_space<semaphore_mem>>) src(%arg5 : memref<128xf32, #tpu.memory_space<vmem>>) dst(%dma_wait3A_286 : memref<4227072xf32, #tpu.memory_space<hbm>>)
      %dma_wait3A_287 = arith.constant 9 : i32
      %dma_wait3A_288 = arith.constant 0 : i32
      %dma_wait3A_289 = tpu.memref_slice %arg4[%dma_wait3A_287, %dma_wait3A_288] : memref<24x128xi32, #tpu.memory_space<vmem>> -> memref<1x128xi32, #tpu.memory_space<vmem>>
      %dma_wait3A_290 = tpu.memref_squeeze %dma_wait3A_289 : memref<1x128xi32, #tpu.memory_space<vmem>> -> memref<128xi32, #tpu.memory_space<vmem>>
      %dma_wait3A_291 = arith.constant 0 : i32
      %dma_wait3A_292 = tpu.memref_slice %arg3[%dma_wait3A_291] : memref<4227072xf32, #tpu.memory_space<hbm>> -> memref<4227072xf32, #tpu.memory_space<hbm>>
      tpu.wait_indirect_dma semaphore(%arg7 : memref<!tpu.dma_semaphore, #tpu.memory_space<semaphore_mem>>) src(%arg5 : memref<128xf32, #tpu.memory_space<vmem>>) dst(%dma_wait3A_292 : memref<4227072xf32, #tpu.memory_space<hbm>>)
      %dma_wait3A_293 = arith.constant 10 : i32
      %dma_wait3A_294 = arith.constant 0 : i32
      %dma_wait3A_295 = tpu.memref_slice %arg4[%dma_wait3A_293, %dma_wait3A_294] : memref<24x128xi32, #tpu.memory_space<vmem>> -> memref<1x128xi32, #tpu.memory_space<vmem>>
      %dma_wait3A_296 = tpu.memref_squeeze %dma_wait3A_295 : memref<1x128xi32, #tpu.memory_space<vmem>> -> memref<128xi32, #tpu.memory_space<vmem>>
      %dma_wait3A_297 = arith.constant 0 : i32
      %dma_wait3A_298 = tpu.memref_slice %arg3[%dma_wait3A_297] : memref<4227072xf32, #tpu.memory_space<hbm>> -> memref<4227072xf32, #tpu.memory_space<hbm>>
      tpu.wait_indirect_dma semaphore(%arg7 : memref<!tpu.dma_semaphore, #tpu.memory_space<semaphore_mem>>) src(%arg5 : memref<128xf32, #tpu.memory_space<vmem>>) dst(%dma_wait3A_298 : memref<4227072xf32, #tpu.memory_space<hbm>>)
      %dma_wait3A_299 = arith.constant 11 : i32
      %dma_wait3A_300 = arith.constant 0 : i32
      %dma_wait3A_301 = tpu.memref_slice %arg4[%dma_wait3A_299, %dma_wait3A_300] : memref<24x128xi32, #tpu.memory_space<vmem>> -> memref<1x128xi32, #tpu.memory_space<vmem>>
      %dma_wait3A_302 = tpu.memref_squeeze %dma_wait3A_301 : memref<1x128xi32, #tpu.memory_space<vmem>> -> memref<128xi32, #tpu.memory_space<vmem>>
      %dma_wait3A_303 = arith.constant 0 : i32
      %dma_wait3A_304 = tpu.memref_slice %arg3[%dma_wait3A_303] : memref<4227072xf32, #tpu.memory_space<hbm>> -> memref<4227072xf32, #tpu.memory_space<hbm>>
      tpu.wait_indirect_dma semaphore(%arg7 : memref<!tpu.dma_semaphore, #tpu.memory_space<semaphore_mem>>) src(%arg5 : memref<128xf32, #tpu.memory_space<vmem>>) dst(%dma_wait3A_304 : memref<4227072xf32, #tpu.memory_space<hbm>>)
      %dma_wait3A_305 = arith.constant 12 : i32
      %dma_wait3A_306 = arith.constant 0 : i32
      %dma_wait3A_307 = tpu.memref_slice %arg4[%dma_wait3A_305, %dma_wait3A_306] : memref<24x128xi32, #tpu.memory_space<vmem>> -> memref<1x128xi32, #tpu.memory_space<vmem>>
      %dma_wait3A_308 = tpu.memref_squeeze %dma_wait3A_307 : memref<1x128xi32, #tpu.memory_space<vmem>> -> memref<128xi32, #tpu.memory_space<vmem>>
      %dma_wait3A_309 = arith.constant 0 : i32
      %dma_wait3A_310 = tpu.memref_slice %arg3[%dma_wait3A_309] : memref<4227072xf32, #tpu.memory_space<hbm>> -> memref<4227072xf32, #tpu.memory_space<hbm>>
      tpu.wait_indirect_dma semaphore(%arg7 : memref<!tpu.dma_semaphore, #tpu.memory_space<semaphore_mem>>) src(%arg5 : memref<128xf32, #tpu.memory_space<vmem>>) dst(%dma_wait3A_310 : memref<4227072xf32, #tpu.memory_space<hbm>>)
      %dma_wait3A_311 = arith.constant 13 : i32
      %dma_wait3A_312 = arith.constant 0 : i32
      %dma_wait3A_313 = tpu.memref_slice %arg4[%dma_wait3A_311, %dma_wait3A_312] : memref<24x128xi32, #tpu.memory_space<vmem>> -> memref<1x128xi32, #tpu.memory_space<vmem>>
      %dma_wait3A_314 = tpu.memref_squeeze %dma_wait3A_313 : memref<1x128xi32, #tpu.memory_space<vmem>> -> memref<128xi32, #tpu.memory_space<vmem>>
      %dma_wait3A_315 = arith.constant 0 : i32
      %dma_wait3A_316 = tpu.memref_slice %arg3[%dma_wait3A_315] : memref<4227072xf32, #tpu.memory_space<hbm>> -> memref<4227072xf32, #tpu.memory_space<hbm>>
      tpu.wait_indirect_dma semaphore(%arg7 : memref<!tpu.dma_semaphore, #tpu.memory_space<semaphore_mem>>) src(%arg5 : memref<128xf32, #tpu.memory_space<vmem>>) dst(%dma_wait3A_316 : memref<4227072xf32, #tpu.memory_space<hbm>>)
      %dma_wait3A_317 = arith.constant 14 : i32
      %dma_wait3A_318 = arith.constant 0 : i32
      %dma_wait3A_319 = tpu.memref_slice %arg4[%dma_wait3A_317, %dma_wait3A_318] : memref<24x128xi32, #tpu.memory_space<vmem>> -> memref<1x128xi32, #tpu.memory_space<vmem>>
      %dma_wait3A_320 = tpu.memref_squeeze %dma_wait3A_319 : memref<1x128xi32, #tpu.memory_space<vmem>> -> memref<128xi32, #tpu.memory_space<vmem>>
      %dma_wait3A_321 = arith.constant 0 : i32
      %dma_wait3A_322 = tpu.memref_slice %arg3[%dma_wait3A_321] : memref<4227072xf32, #tpu.memory_space<hbm>> -> memref<4227072xf32, #tpu.memory_space<hbm>>
      tpu.wait_indirect_dma semaphore(%arg7 : memref<!tpu.dma_semaphore, #tpu.memory_space<semaphore_mem>>) src(%arg5 : memref<128xf32, #tpu.memory_space<vmem>>) dst(%dma_wait3A_322 : memref<4227072xf32, #tpu.memory_space<hbm>>)
      %dma_wait3A_323 = arith.constant 15 : i32
      %dma_wait3A_324 = arith.constant 0 : i32
      %dma_wait3A_325 = tpu.memref_slice %arg4[%dma_wait3A_323, %dma_wait3A_324] : memref<24x128xi32, #tpu.memory_space<vmem>> -> memref<1x128xi32, #tpu.memory_space<vmem>>
      %dma_wait3A_326 = tpu.memref_squeeze %dma_wait3A_325 : memref<1x128xi32, #tpu.memory_space<vmem>> -> memref<128xi32, #tpu.memory_space<vmem>>
      %dma_wait3A_327 = arith.constant 0 : i32
      %dma_wait3A_328 = tpu.memref_slice %arg3[%dma_wait3A_327] : memref<4227072xf32, #tpu.memory_space<hbm>> -> memref<4227072xf32, #tpu.memory_space<hbm>>
      tpu.wait_indirect_dma semaphore(%arg7 : memref<!tpu.dma_semaphore, #tpu.memory_space<semaphore_mem>>) src(%arg5 : memref<128xf32, #tpu.memory_space<vmem>>) dst(%dma_wait3A_328 : memref<4227072xf32, #tpu.memory_space<hbm>>)
      %dma_wait3A_329 = arith.constant 16 : i32
      %dma_wait3A_330 = arith.constant 0 : i32
      %dma_wait3A_331 = tpu.memref_slice %arg4[%dma_wait3A_329, %dma_wait3A_330] : memref<24x128xi32, #tpu.memory_space<vmem>> -> memref<1x128xi32, #tpu.memory_space<vmem>>
      %dma_wait3A_332 = tpu.memref_squeeze %dma_wait3A_331 : memref<1x128xi32, #tpu.memory_space<vmem>> -> memref<128xi32, #tpu.memory_space<vmem>>
      %dma_wait3A_333 = arith.constant 0 : i32
      %dma_wait3A_334 = tpu.memref_slice %arg3[%dma_wait3A_333] : memref<4227072xf32, #tpu.memory_space<hbm>> -> memref<4227072xf32, #tpu.memory_space<hbm>>
      tpu.wait_indirect_dma semaphore(%arg7 : memref<!tpu.dma_semaphore, #tpu.memory_space<semaphore_mem>>) src(%arg5 : memref<128xf32, #tpu.memory_space<vmem>>) dst(%dma_wait3A_334 : memref<4227072xf32, #tpu.memory_space<hbm>>)
      %dma_wait3A_335 = arith.constant 17 : i32
      %dma_wait3A_336 = arith.constant 0 : i32
      %dma_wait3A_337 = tpu.memref_slice %arg4[%dma_wait3A_335, %dma_wait3A_336] : memref<24x128xi32, #tpu.memory_space<vmem>> -> memref<1x128xi32, #tpu.memory_space<vmem>>
      %dma_wait3A_338 = tpu.memref_squeeze %dma_wait3A_337 : memref<1x128xi32, #tpu.memory_space<vmem>> -> memref<128xi32, #tpu.memory_space<vmem>>
      %dma_wait3A_339 = arith.constant 0 : i32
      %dma_wait3A_340 = tpu.memref_slice %arg3[%dma_wait3A_339] : memref<4227072xf32, #tpu.memory_space<hbm>> -> memref<4227072xf32, #tpu.memory_space<hbm>>
      tpu.wait_indirect_dma semaphore(%arg7 : memref<!tpu.dma_semaphore, #tpu.memory_space<semaphore_mem>>) src(%arg5 : memref<128xf32, #tpu.memory_space<vmem>>) dst(%dma_wait3A_340 : memref<4227072xf32, #tpu.memory_space<hbm>>)
      %dma_wait3A_341 = arith.constant 18 : i32
      %dma_wait3A_342 = arith.constant 0 : i32
      %dma_wait3A_343 = tpu.memref_slice %arg4[%dma_wait3A_341, %dma_wait3A_342] : memref<24x128xi32, #tpu.memory_space<vmem>> -> memref<1x128xi32, #tpu.memory_space<vmem>>
      %dma_wait3A_344 = tpu.memref_squeeze %dma_wait3A_343 : memref<1x128xi32, #tpu.memory_space<vmem>> -> memref<128xi32, #tpu.memory_space<vmem>>
      %dma_wait3A_345 = arith.constant 0 : i32
      %dma_wait3A_346 = tpu.memref_slice %arg3[%dma_wait3A_345] : memref<4227072xf32, #tpu.memory_space<hbm>> -> memref<4227072xf32, #tpu.memory_space<hbm>>
      tpu.wait_indirect_dma semaphore(%arg7 : memref<!tpu.dma_semaphore, #tpu.memory_space<semaphore_mem>>) src(%arg5 : memref<128xf32, #tpu.memory_space<vmem>>) dst(%dma_wait3A_346 : memref<4227072xf32, #tpu.memory_space<hbm>>)
      %dma_wait3A_347 = arith.constant 19 : i32
      %dma_wait3A_348 = arith.constant 0 : i32
      %dma_wait3A_349 = tpu.memref_slice %arg4[%dma_wait3A_347, %dma_wait3A_348] : memref<24x128xi32, #tpu.memory_space<vmem>> -> memref<1x128xi32, #tpu.memory_space<vmem>>
      %dma_wait3A_350 = tpu.memref_squeeze %dma_wait3A_349 : memref<1x128xi32, #tpu.memory_space<vmem>> -> memref<128xi32, #tpu.memory_space<vmem>>
      %dma_wait3A_351 = arith.constant 0 : i32
      %dma_wait3A_352 = tpu.memref_slice %arg3[%dma_wait3A_351] : memref<4227072xf32, #tpu.memory_space<hbm>> -> memref<4227072xf32, #tpu.memory_space<hbm>>
      tpu.wait_indirect_dma semaphore(%arg7 : memref<!tpu.dma_semaphore, #tpu.memory_space<semaphore_mem>>) src(%arg5 : memref<128xf32, #tpu.memory_space<vmem>>) dst(%dma_wait3A_352 : memref<4227072xf32, #tpu.memory_space<hbm>>)
      %dma_wait3A_353 = arith.constant 20 : i32
      %dma_wait3A_354 = arith.constant 0 : i32
      %dma_wait3A_355 = tpu.memref_slice %arg4[%dma_wait3A_353, %dma_wait3A_354] : memref<24x128xi32, #tpu.memory_space<vmem>> -> memref<1x128xi32, #tpu.memory_space<vmem>>
      %dma_wait3A_356 = tpu.memref_squeeze %dma_wait3A_355 : memref<1x128xi32, #tpu.memory_space<vmem>> -> memref<128xi32, #tpu.memory_space<vmem>>
      %dma_wait3A_357 = arith.constant 0 : i32
      %dma_wait3A_358 = tpu.memref_slice %arg3[%dma_wait3A_357] : memref<4227072xf32, #tpu.memory_space<hbm>> -> memref<4227072xf32, #tpu.memory_space<hbm>>
      tpu.wait_indirect_dma semaphore(%arg7 : memref<!tpu.dma_semaphore, #tpu.memory_space<semaphore_mem>>) src(%arg5 : memref<128xf32, #tpu.memory_space<vmem>>) dst(%dma_wait3A_358 : memref<4227072xf32, #tpu.memory_space<hbm>>)
      %dma_wait3A_359 = arith.constant 21 : i32
      %dma_wait3A_360 = arith.constant 0 : i32
      %dma_wait3A_361 = tpu.memref_slice %arg4[%dma_wait3A_359, %dma_wait3A_360] : memref<24x128xi32, #tpu.memory_space<vmem>> -> memref<1x128xi32, #tpu.memory_space<vmem>>
      %dma_wait3A_362 = tpu.memref_squeeze %dma_wait3A_361 : memref<1x128xi32, #tpu.memory_space<vmem>> -> memref<128xi32, #tpu.memory_space<vmem>>
      %dma_wait3A_363 = arith.constant 0 : i32
      %dma_wait3A_364 = tpu.memref_slice %arg3[%dma_wait3A_363] : memref<4227072xf32, #tpu.memory_space<hbm>> -> memref<4227072xf32, #tpu.memory_space<hbm>>
      tpu.wait_indirect_dma semaphore(%arg7 : memref<!tpu.dma_semaphore, #tpu.memory_space<semaphore_mem>>) src(%arg5 : memref<128xf32, #tpu.memory_space<vmem>>) dst(%dma_wait3A_364 : memref<4227072xf32, #tpu.memory_space<hbm>>)
      %dma_wait3A_365 = arith.constant 22 : i32
      %dma_wait3A_366 = arith.constant 0 : i32
      %dma_wait3A_367 = tpu.memref_slice %arg4[%dma_wait3A_365, %dma_wait3A_366] : memref<24x128xi32, #tpu.memory_space<vmem>> -> memref<1x128xi32, #tpu.memory_space<vmem>>
      %dma_wait3A_368 = tpu.memref_squeeze %dma_wait3A_367 : memref<1x128xi32, #tpu.memory_space<vmem>> -> memref<128xi32, #tpu.memory_space<vmem>>
      %dma_wait3A_369 = arith.constant 0 : i32
      %dma_wait3A_370 = tpu.memref_slice %arg3[%dma_wait3A_369] : memref<4227072xf32, #tpu.memory_space<hbm>> -> memref<4227072xf32, #tpu.memory_space<hbm>>
      tpu.wait_indirect_dma semaphore(%arg7 : memref<!tpu.dma_semaphore, #tpu.memory_space<semaphore_mem>>) src(%arg5 : memref<128xf32, #tpu.memory_space<vmem>>) dst(%dma_wait3A_370 : memref<4227072xf32, #tpu.memory_space<hbm>>)
      %dma_wait3A_371 = arith.constant 23 : i32
      %dma_wait3A_372 = arith.constant 0 : i32
      %dma_wait3A_373 = tpu.memref_slice %arg4[%dma_wait3A_371, %dma_wait3A_372] : memref<24x128xi32, #tpu.memory_space<vmem>> -> memref<1x128xi32, #tpu.memory_space<vmem>>
      %dma_wait3A_374 = tpu.memref_squeeze %dma_wait3A_373 : memref<1x128xi32, #tpu.memory_space<vmem>> -> memref<128xi32, #tpu.memory_space<vmem>>
      %dma_wait3A_375 = arith.constant 0 : i32
      %dma_wait3A_376 = tpu.memref_slice %arg3[%dma_wait3A_375] : memref<4227072xf32, #tpu.memory_space<hbm>> -> memref<4227072xf32, #tpu.memory_space<hbm>>
      tpu.wait_indirect_dma semaphore(%arg7 : memref<!tpu.dma_semaphore, #tpu.memory_space<semaphore_mem>>) src(%arg5 : memref<128xf32, #tpu.memory_space<vmem>>) dst(%dma_wait3A_376 : memref<4227072xf32, #tpu.memory_space<hbm>>)
    }
    %scan3A_87 = arith.constant 41 : i32
    return
  }
}

module attributes {stable_mosaic.version = 14 : i64} {
  func.func @_prep_body(%arg0: i32, %arg1: memref<1x1xi32, #tpu.memory_space<smem>>, %arg2: memref<1x1x16000xf32, #tpu.memory_space<vmem>>, %arg3: memref<1x1x16000xf32, #tpu.memory_space<vmem>>, %arg4: memref<1x1x16000xi32, #tpu.memory_space<vmem>>, %arg5: memref<1x1x16000xi32, #tpu.memory_space<vmem>>, %arg6: memref<1x1x16000xf32, #tpu.memory_space<vmem>>, %arg7: memref<1x1x16000xi32, #tpu.memory_space<vmem>>, %arg8: memref<1x1x16000xi32, #tpu.memory_space<vmem>>, %arg9: memref<1x1xf32, #tpu.memory_space<smem>>, %arg10: memref<1x1xf32, #tpu.memory_space<smem>>) attributes {dimension_semantics = [#tpu.dimension_semantics<arbitrary>], iteration_bounds = array<i64: 125>, scalar_prefetch = 0 : i64, scratch_operands = 0 : i64, tpu.core_type = #tpu.core_type<tc>, window_params = [{transform_indices = @transform_0, window_bounds = array<i64: 1, 1>}, {transform_indices = @transform_1, window_bounds = array<i64: 1, 1, 16000>}, {transform_indices = @transform_2, window_bounds = array<i64: 1, 1, 16000>}, {transform_indices = @transform_3, window_bounds = array<i64: 1, 1, 16000>}, {transform_indices = @transform_4, window_bounds = array<i64: 1, 1, 16000>}, {transform_indices = @transform_5, window_bounds = array<i64: 1, 1, 16000>}, {transform_indices = @transform_6, window_bounds = array<i64: 1, 1, 16000>}, {transform_indices = @transform_7, window_bounds = array<i64: 1, 1, 16000>}, {transform_indices = @transform_8, window_bounds = array<i64: 1, 1>}, {transform_indices = @transform_9, window_bounds = array<i64: 1, 1>}]} {
    %get3A = arith.constant 0 : index
    %get3A_0 = arith.constant 0 : index
    %get3A_1 = arith.constant 0 : index
    %get3A_2 = vector.load %arg2[%get3A, %get3A_0, %get3A_1] : memref<1x1x16000xf32, #tpu.memory_space<vmem>>, vector<1x1x16000xf32>
    %get3A_3 = vector.shape_cast %get3A_2 : vector<1x1x16000xf32> to vector<16000xf32>
    %get3A_4 = arith.constant 0 : index
    %get3A_5 = arith.constant 0 : index
    %get3A_6 = arith.constant 0 : index
    %get3A_7 = vector.load %arg3[%get3A_4, %get3A_5, %get3A_6] : memref<1x1x16000xf32, #tpu.memory_space<vmem>>, vector<1x1x16000xf32>
    %get3A_8 = vector.shape_cast %get3A_7 : vector<1x1x16000xf32> to vector<16000xf32>
    %get3A_9 = arith.constant 0 : index
    %get3A_10 = arith.constant 0 : index
    %get3A_11 = arith.constant 0 : index
    %get3A_12 = vector.load %arg4[%get3A_9, %get3A_10, %get3A_11] : memref<1x1x16000xi32, #tpu.memory_space<vmem>>, vector<1x1x16000xi32>
    %get3A_13 = vector.shape_cast %get3A_12 : vector<1x1x16000xi32> to vector<16000xi32>
    %get3A_14 = arith.constant 0 : index
    %get3A_15 = arith.constant 0 : index
    %get3A_16 = arith.constant 0 : index
    %get3A_17 = vector.load %arg5[%get3A_14, %get3A_15, %get3A_16] : memref<1x1x16000xi32, #tpu.memory_space<vmem>>, vector<1x1x16000xi32>
    %get3A_18 = vector.shape_cast %get3A_17 : vector<1x1x16000xi32> to vector<16000xi32>
    %get3A_19 = arith.constant 0 : index
    %get3A_20 = arith.constant 0 : index
    %get3A_21 = memref.load %arg1[%get3A_19, %get3A_20] : memref<1x1xi32, #tpu.memory_space<smem>>
    %mul3A = arith.constant 1.024000e+03 : f32
    %mul3A_22 = vector.broadcast %mul3A : f32 to vector<16000xf32>
    %mul3A_23 = arith.mulf %get3A_3, %mul3A_22 : vector<16000xf32>
    %convert_element_type3A = arith.fptosi %mul3A_23 : vector<16000xf32> to vector<16000xi32>
    %jit3A = arith.constant 0 : i32
    %jit3A_24 = arith.constant 1023 : i32
    %max3A = vector.broadcast %jit3A : i32 to vector<16000xi32>
    %max3A_25 = arith.maxsi %max3A, %convert_element_type3A : vector<16000xi32>
    %min3A = vector.broadcast %jit3A_24 : i32 to vector<16000xi32>
    %min3A_26 = arith.minsi %min3A, %max3A_25 : vector<16000xi32>
    %mul3A_27 = arith.constant 1.024000e+03 : f32
    %mul3A_28 = vector.broadcast %mul3A_27 : f32 to vector<16000xf32>
    %mul3A_29 = arith.mulf %get3A_8, %mul3A_28 : vector<16000xf32>
    %convert_element_type3A_30 = arith.fptosi %mul3A_29 : vector<16000xf32> to vector<16000xi32>
    %jit3A_31 = arith.constant 0 : i32
    %jit3A_32 = arith.constant 1023 : i32
    %max3A_33 = vector.broadcast %jit3A_31 : i32 to vector<16000xi32>
    %max3A_34 = arith.maxsi %max3A_33, %convert_element_type3A_30 : vector<16000xi32>
    %min3A_35 = vector.broadcast %jit3A_32 : i32 to vector<16000xi32>
    %min3A_36 = arith.minsi %min3A_35, %max3A_34 : vector<16000xi32>
    %mul3A_37 = arith.constant 1024 : i32
    %mul3A_38 = vector.broadcast %mul3A_37 : i32 to vector<16000xi32>
    %mul3A_39 = arith.muli %min3A_36, %mul3A_38 : vector<16000xi32>
    %add3A = arith.addi %mul3A_39, %min3A_26 : vector<16000xi32>
    %eq3A = arith.constant 3 : i32
    %eq3A_40 = vector.broadcast %eq3A : i32 to vector<16000xi32>
    %eq3A_41 = arith.cmpi eq, %get3A_13, %eq3A_40 : vector<16000xi32>
    %eq3A_42 = arith.constant 0 : i32
    %eq3A_43 = vector.broadcast %eq3A_42 : i32 to vector<16000xi32>
    %eq3A_44 = arith.cmpi eq, %get3A_13, %eq3A_43 : vector<16000xi32>
    %eq3A_45 = vector.broadcast %get3A_21 : i32 to vector<16000xi32>
    %eq3A_46 = arith.cmpi eq, %get3A_18, %eq3A_45 : vector<16000xi32>
    %and3A = arith.andi %eq3A_44, %eq3A_46 : vector<16000xi1>
    %eq3A_47 = arith.constant 0 : i32
    %eq3A_48 = vector.broadcast %eq3A_47 : i32 to vector<16000xi32>
    %eq3A_49 = arith.cmpi eq, %get3A_13, %eq3A_48 : vector<16000xi32>
    %ne3A = vector.broadcast %get3A_21 : i32 to vector<16000xi32>
    %ne3A_50 = arith.cmpi ne, %get3A_18, %ne3A : vector<16000xi32>
    %and3A_51 = arith.andi %eq3A_49, %ne3A_50 : vector<16000xi1>
    %ge3A = arith.constant 0 : i32
    %ge3A_52 = vector.broadcast %ge3A : i32 to vector<16000xi32>
    %ge3A_53 = arith.cmpi sge, %get3A_18, %ge3A_52 : vector<16000xi32>
    %and3A_54 = arith.andi %and3A_51, %ge3A_53 : vector<16000xi1>
    %eq3A_55 = arith.constant 1 : i32
    %eq3A_56 = vector.broadcast %eq3A_55 : i32 to vector<16000xi32>
    %eq3A_57 = arith.cmpi eq, %get3A_13, %eq3A_56 : vector<16000xi32>
    %jit3A_58 = arith.constant 3 : i32
    %jit3A_59 = arith.constant -1 : i32
    %broadcast_in_dim3A = vector.broadcast %jit3A_58 : i32 to vector<16000xi32>
    %broadcast_in_dim3A_60 = vector.broadcast %jit3A_59 : i32 to vector<16000xi32>
    %select_n3A = arith.select %eq3A_57, %broadcast_in_dim3A, %broadcast_in_dim3A_60 : vector<16000xi1>, vector<16000xi32>
    %jit3A_61 = arith.constant 2 : i32
    %broadcast_in_dim3A_62 = vector.broadcast %jit3A_61 : i32 to vector<16000xi32>
    %select_n3A_63 = arith.select %and3A_54, %broadcast_in_dim3A_62, %select_n3A : vector<16000xi1>, vector<16000xi32>
    %jit3A_64 = arith.constant 1 : i32
    %broadcast_in_dim3A_65 = vector.broadcast %jit3A_64 : i32 to vector<16000xi32>
    %select_n3A_66 = arith.select %and3A, %broadcast_in_dim3A_65, %select_n3A_63 : vector<16000xi1>, vector<16000xi32>
    %jit3A_67 = arith.constant 0 : i32
    %broadcast_in_dim3A_68 = vector.broadcast %jit3A_67 : i32 to vector<16000xi32>
    %select_n3A_69 = arith.select %eq3A_41, %broadcast_in_dim3A_68, %select_n3A_66 : vector<16000xi1>, vector<16000xi32>
    %ge3A_70 = arith.constant 0 : i32
    %ge3A_71 = vector.broadcast %ge3A_70 : i32 to vector<16000xi32>
    %ge3A_72 = arith.cmpi sge, %select_n3A_69, %ge3A_71 : vector<16000xi32>
    %max3A_73 = arith.constant 0 : i32
    %max3A_74 = vector.broadcast %max3A_73 : i32 to vector<16000xi32>
    %max3A_75 = arith.maxsi %select_n3A_69, %max3A_74 : vector<16000xi32>
    %mul3A_76 = arith.constant 1048576 : i32
    %mul3A_77 = vector.broadcast %mul3A_76 : i32 to vector<16000xi32>
    %mul3A_78 = arith.muli %mul3A_77, %max3A_75 : vector<16000xi32>
    %add3A_79 = arith.addi %add3A, %mul3A_78 : vector<16000xi32>
    %jit3A_80 = arith.constant 4194304 : i32
    %broadcast_in_dim3A_81 = vector.broadcast %jit3A_80 : i32 to vector<16000xi32>
    %select_n3A_82 = arith.select %ge3A_72, %add3A_79, %broadcast_in_dim3A_81 : vector<16000xi1>, vector<16000xi32>
    %and3A_83 = arith.constant 16383 : i32
    %and3A_84 = vector.broadcast %and3A_83 : i32 to vector<16000xi32>
    %and3A_85 = arith.andi %add3A, %and3A_84 : vector<16000xi32>
    %add3A_86 = arith.constant 2097152 : i32
    %add3A_87 = vector.broadcast %add3A_86 : i32 to vector<16000xi32>
    %add3A_88 = arith.addi %add3A_87, %and3A_85 : vector<16000xi32>
    %lt3A = arith.constant 2097152 : i32
    %lt3A_89 = vector.broadcast %lt3A : i32 to vector<16000xi32>
    %lt3A_90 = arith.cmpi slt, %select_n3A_82, %lt3A_89 : vector<16000xi32>
    %select_n3A_91 = arith.select %lt3A_90, %select_n3A_82, %add3A_88 : vector<16000xi1>, vector<16000xi32>
    %ge3A_92 = arith.constant 2097152 : i32
    %ge3A_93 = vector.broadcast %ge3A_92 : i32 to vector<16000xi32>
    %ge3A_94 = arith.cmpi sge, %select_n3A_82, %ge3A_93 : vector<16000xi32>
    %lt3A_95 = arith.constant 4194304 : i32
    %lt3A_96 = vector.broadcast %lt3A_95 : i32 to vector<16000xi32>
    %lt3A_97 = arith.cmpi slt, %select_n3A_82, %lt3A_96 : vector<16000xi32>
    %and3A_98 = arith.andi %ge3A_94, %lt3A_97 : vector<16000xi1>
    %sub3A = arith.constant 2097152 : i32
    %sub3A_99 = vector.broadcast %sub3A : i32 to vector<16000xi32>
    %sub3A_100 = arith.subi %select_n3A_82, %sub3A_99 : vector<16000xi32>
    %add3A_101 = arith.constant 2113536 : i32
    %add3A_102 = vector.broadcast %add3A_101 : i32 to vector<16000xi32>
    %add3A_103 = arith.addi %sub3A_100, %add3A_102 : vector<16000xi32>
    %add3A_104 = arith.constant 2113536 : i32
    %add3A_105 = vector.broadcast %add3A_104 : i32 to vector<16000xi32>
    %add3A_106 = arith.addi %add3A_88, %add3A_105 : vector<16000xi32>
    %select_n3A_107 = arith.select %and3A_98, %add3A_103, %add3A_106 : vector<16000xi1>, vector<16000xi32>
    %swap3A = arith.constant 0 : index
    %swap3A_108 = arith.constant 0 : index
    %swap3A_109 = arith.constant 0 : index
    %swap3A_110 = vector.load %arg7[%swap3A, %swap3A_108, %swap3A_109] : memref<1x1x16000xi32, #tpu.memory_space<vmem>>, vector<1x1x16000xi32>
    %swap3A_111 = vector.shape_cast %swap3A_110 : vector<1x1x16000xi32> to vector<16000xi32>
    %swap3A_112 = vector.shape_cast %select_n3A_91 : vector<16000xi32> to vector<1x1x16000xi32>
    tpu.vector_store %arg7[%swap3A, %swap3A_108, %swap3A_109], %swap3A_112 {strides = array<i32>} : memref<1x1x16000xi32, #tpu.memory_space<vmem>>, vector<1x1x16000xi32>,
    %swap3A_113 = arith.constant 0 : index
    %swap3A_114 = arith.constant 0 : index
    %swap3A_115 = arith.constant 0 : index
    %swap3A_116 = vector.load %arg8[%swap3A_113, %swap3A_114, %swap3A_115] : memref<1x1x16000xi32, #tpu.memory_space<vmem>>, vector<1x1x16000xi32>
    %swap3A_117 = vector.shape_cast %swap3A_116 : vector<1x1x16000xi32> to vector<16000xi32>
    %swap3A_118 = vector.shape_cast %select_n3A_107 : vector<16000xi32> to vector<1x1x16000xi32>
    tpu.vector_store %arg8[%swap3A_113, %swap3A_114, %swap3A_115], %swap3A_118 {strides = array<i32>} : memref<1x1x16000xi32, #tpu.memory_space<vmem>>, vector<1x1x16000xi32>,
    %convert_element_type3A_119 = arith.extui %and3A : vector<16000xi1> to vector<16000xi32>
    %convert_element_type3A_120 = arith.sitofp %convert_element_type3A_119 : vector<16000xi32> to vector<16000xf32>
    %get3A_121 = arith.constant 0 : index
    %get3A_122 = arith.constant 0 : index
    %get3A_123 = arith.constant 0 : index
    %get3A_124 = vector.load %arg6[%get3A_121, %get3A_122, %get3A_123] : memref<1x1x16000xf32, #tpu.memory_space<vmem>>, vector<1x1x16000xf32>
    %get3A_125 = vector.shape_cast %get3A_124 : vector<1x1x16000xf32> to vector<16000xf32>
    %mul3A_126 = arith.mulf %get3A_125, %convert_element_type3A_120 : vector<16000xf32>
    %reduce_sum3A = vector.shape_cast %mul3A_126 : vector<16000xf32> to vector<1x16000xf32>
    %reduce_sum3A_127 = arith.constant dense<0.000000e+00> : vector<1xf32>
    %reduce_sum3A_128 = vector.multi_reduction <add>, %reduce_sum3A, %reduce_sum3A_127 [1] : vector<1x16000xf32> to vector<1xf32>
    %reduce_sum3A_129 = vector.shape_cast %reduce_sum3A_128 : vector<1xf32> to vector<1x1xf32>
    %reduce_sum3A_130 = vector.extract %reduce_sum3A_129[0, 0] : f32 from vector<1x1xf32>
    %reduce_sum3A_131 = vector.shape_cast %convert_element_type3A_120 : vector<16000xf32> to vector<1x16000xf32>
    %reduce_sum3A_132 = arith.constant dense<0.000000e+00> : vector<1xf32>
    %reduce_sum3A_133 = vector.multi_reduction <add>, %reduce_sum3A_131, %reduce_sum3A_132 [1] : vector<1x16000xf32> to vector<1xf32>
    %reduce_sum3A_134 = vector.shape_cast %reduce_sum3A_133 : vector<1xf32> to vector<1x1xf32>
    %reduce_sum3A_135 = vector.extract %reduce_sum3A_134[0, 0] : f32 from vector<1x1xf32>
    %eq3A_136 = arith.constant 0 : i32
    %eq3A_137 = arith.cmpi eq, %arg0, %eq3A_136 : i32
    %convert_element_type3A_138 = arith.extui %eq3A_137 : i1 to i32
    %cond3A = arith.constant 0 : i32
    %cond3A_139 = arith.cmpi ne, %convert_element_type3A_138, %cond3A : i32
    scf.if %cond3A_139 {
      %swap3A_154 = arith.constant 0.000000e+00 : f32
      %swap3A_155 = arith.constant 0 : index
      %swap3A_156 = arith.constant 0 : index
      %swap3A_157 = memref.load %arg9[%swap3A_155, %swap3A_156] : memref<1x1xf32, #tpu.memory_space<smem>>
      memref.store %swap3A_154, %arg9[%swap3A_155, %swap3A_156] : memref<1x1xf32, #tpu.memory_space<smem>>
      %swap3A_158 = arith.constant 0.000000e+00 : f32
      %swap3A_159 = arith.constant 0 : index
      %swap3A_160 = arith.constant 0 : index
      %swap3A_161 = memref.load %arg10[%swap3A_159, %swap3A_160] : memref<1x1xf32, #tpu.memory_space<smem>>
      memref.store %swap3A_158, %arg10[%swap3A_159, %swap3A_160] : memref<1x1xf32, #tpu.memory_space<smem>>
    } else {
    }
    %get3A_140 = arith.constant 0 : index
    %get3A_141 = arith.constant 0 : index
    %get3A_142 = memref.load %arg9[%get3A_140, %get3A_141] : memref<1x1xf32, #tpu.memory_space<smem>>
    %add3A_143 = arith.addf %get3A_142, %reduce_sum3A_130 : f32
    %swap3A_144 = arith.constant 0 : index
    %swap3A_145 = arith.constant 0 : index
    %swap3A_146 = memref.load %arg9[%swap3A_144, %swap3A_145] : memref<1x1xf32, #tpu.memory_space<smem>>
    memref.store %add3A_143, %arg9[%swap3A_144, %swap3A_145] : memref<1x1xf32, #tpu.memory_space<smem>>
    %get3A_147 = arith.constant 0 : index
    %get3A_148 = arith.constant 0 : index
    %get3A_149 = memref.load %arg10[%get3A_147, %get3A_148] : memref<1x1xf32, #tpu.memory_space<smem>>
    %add3A_150 = arith.addf %get3A_149, %reduce_sum3A_135 : f32
    %swap3A_151 = arith.constant 0 : index
    %swap3A_152 = arith.constant 0 : index
    %swap3A_153 = memref.load %arg10[%swap3A_151, %swap3A_152] : memref<1x1xf32, #tpu.memory_space<smem>>
    memref.store %add3A_150, %arg10[%swap3A_151, %swap3A_152] : memref<1x1xf32, #tpu.memory_space<smem>>
    return
  }
  func.func @transform_0(%arg0: i32) -> (i32, i32) {
    %c0_i32 = arith.constant 0 : i32
    %c0_i32_0 = arith.constant 0 : i32
    %c0_i32_1 = arith.constant 0 : i32
    return %c0_i32, %c0_i32_0 : i32, i32
  }
  func.func @transform_1(%arg0: i32) -> (i32, i32, i32) {
    %c0_i32 = arith.constant 0 : i32
    %c0_i32_0 = arith.constant 0 : i32
    %c0_i32_1 = arith.constant 0 : i32
    return %arg0, %c0_i32, %c0_i32_0 : i32, i32, i32
  }
  func.func @transform_2(%arg0: i32) -> (i32, i32, i32) {
    %c0_i32 = arith.constant 0 : i32
    %c0_i32_0 = arith.constant 0 : i32
    %c0_i32_1 = arith.constant 0 : i32
    return %arg0, %c0_i32, %c0_i32_0 : i32, i32, i32
  }
  func.func @transform_3(%arg0: i32) -> (i32, i32, i32) {
    %c0_i32 = arith.constant 0 : i32
    %c0_i32_0 = arith.constant 0 : i32
    %c0_i32_1 = arith.constant 0 : i32
    return %arg0, %c0_i32, %c0_i32_0 : i32, i32, i32
  }
  func.func @transform_4(%arg0: i32) -> (i32, i32, i32) {
    %c0_i32 = arith.constant 0 : i32
    %c0_i32_0 = arith.constant 0 : i32
    %c0_i32_1 = arith.constant 0 : i32
    return %arg0, %c0_i32, %c0_i32_0 : i32, i32, i32
  }
  func.func @transform_5(%arg0: i32) -> (i32, i32, i32) {
    %c0_i32 = arith.constant 0 : i32
    %c0_i32_0 = arith.constant 0 : i32
    %c0_i32_1 = arith.constant 0 : i32
    return %arg0, %c0_i32, %c0_i32_0 : i32, i32, i32
  }
  func.func @transform_6(%arg0: i32) -> (i32, i32, i32) {
    %c0_i32 = arith.constant 0 : i32
    %c0_i32_0 = arith.constant 0 : i32
    %c0_i32_1 = arith.constant 0 : i32
    return %arg0, %c0_i32, %c0_i32_0 : i32, i32, i32
  }
  func.func @transform_7(%arg0: i32) -> (i32, i32, i32) {
    %c0_i32 = arith.constant 0 : i32
    %c0_i32_0 = arith.constant 0 : i32
    %c0_i32_1 = arith.constant 0 : i32
    return %arg0, %c0_i32, %c0_i32_0 : i32, i32, i32
  }
  func.func @transform_8(%arg0: i32) -> (i32, i32) {
    %c0_i32 = arith.constant 0 : i32
    %c0_i32_0 = arith.constant 0 : i32
    %c0_i32_1 = arith.constant 0 : i32
    return %c0_i32, %c0_i32_0 : i32, i32
  }
  func.func @transform_9(%arg0: i32) -> (i32, i32) {
    %c0_i32 = arith.constant 0 : i32
    %c0_i32_0 = arith.constant 0 : i32
    %c0_i32_1 = arith.constant 0 : i32
    return %c0_i32, %c0_i32_0 : i32, i32
  }
}

module attributes {stable_mosaic.version = 14 : i64} {
  func.func @_asm_body(%arg0: i32, %arg1: memref<1x4xf32, #tpu.memory_space<smem>>, %arg2: memref<1x64x1024xf32, #tpu.memory_space<vmem>>, %arg3: memref<1x64x1024xf32, #tpu.memory_space<vmem>>, %arg4: memref<1x64x1024xf32, #tpu.memory_space<vmem>>, %arg5: memref<1x64x1024xf32, #tpu.memory_space<vmem>>, %arg6: memref<1x14x64x1024xf32, #tpu.memory_space<vmem>>) attributes {dimension_semantics = [#tpu.dimension_semantics<arbitrary>], iteration_bounds = array<i64: 16>, scalar_prefetch = 0 : i64, scratch_operands = 0 : i64, tpu.core_type = #tpu.core_type<tc>, window_params = [{transform_indices = @transform_0, window_bounds = array<i64: 1, 4>}, {transform_indices = @transform_1, window_bounds = array<i64: 1, 64, 1024>}, {transform_indices = @transform_2, window_bounds = array<i64: 1, 64, 1024>}, {transform_indices = @transform_3, window_bounds = array<i64: 1, 64, 1024>}, {transform_indices = @transform_4, window_bounds = array<i64: 1, 64, 1024>}, {transform_indices = @transform_5, window_bounds = array<i64: 1, 14, 64, 1024>}]} {
    %get3A = arith.constant 0 : index
    %get3A_0 = arith.constant 0 : index
    %get3A_1 = arith.constant 0 : index
    %get3A_2 = vector.load %arg2[%get3A, %get3A_0, %get3A_1] : memref<1x64x1024xf32, #tpu.memory_space<vmem>>, vector<1x64x1024xf32>
    %get3A_3 = vector.shape_cast %get3A_2 : vector<1x64x1024xf32> to vector<64x1024xf32>
    %get3A_4 = arith.constant 0 : index
    %get3A_5 = arith.constant 0 : index
    %get3A_6 = arith.constant 0 : index
    %get3A_7 = vector.load %arg3[%get3A_4, %get3A_5, %get3A_6] : memref<1x64x1024xf32, #tpu.memory_space<vmem>>, vector<1x64x1024xf32>
    %get3A_8 = vector.shape_cast %get3A_7 : vector<1x64x1024xf32> to vector<64x1024xf32>
    %get3A_9 = arith.constant 0 : index
    %get3A_10 = arith.constant 0 : index
    %get3A_11 = arith.constant 0 : index
    %get3A_12 = vector.load %arg4[%get3A_9, %get3A_10, %get3A_11] : memref<1x64x1024xf32, #tpu.memory_space<vmem>>, vector<1x64x1024xf32>
    %get3A_13 = vector.shape_cast %get3A_12 : vector<1x64x1024xf32> to vector<64x1024xf32>
    %get3A_14 = arith.constant 0 : index
    %get3A_15 = arith.constant 0 : index
    %get3A_16 = arith.constant 0 : index
    %get3A_17 = vector.load %arg5[%get3A_14, %get3A_15, %get3A_16] : memref<1x64x1024xf32, #tpu.memory_space<vmem>>, vector<1x64x1024xf32>
    %get3A_18 = vector.shape_cast %get3A_17 : vector<1x64x1024xf32> to vector<64x1024xf32>
    %get3A_19 = arith.constant 0 : index
    %get3A_20 = arith.constant 0 : index
    %get3A_21 = memref.load %arg1[%get3A_19, %get3A_20] : memref<1x4xf32, #tpu.memory_space<smem>>
    %get3A_22 = arith.constant 0 : index
    %get3A_23 = arith.constant 1 : index
    %get3A_24 = memref.load %arg1[%get3A_22, %get3A_23] : memref<1x4xf32, #tpu.memory_space<smem>>
    %get3A_25 = arith.constant 0 : index
    %get3A_26 = arith.constant 2 : index
    %get3A_27 = memref.load %arg1[%get3A_25, %get3A_26] : memref<1x4xf32, #tpu.memory_space<smem>>
    %get3A_28 = arith.constant 0 : index
    %get3A_29 = arith.constant 3 : index
    %get3A_30 = memref.load %arg1[%get3A_28, %get3A_29] : memref<1x4xf32, #tpu.memory_space<smem>>
    %iota3A = tpu.iota {dimensions = array<i32: 0>} : vector<64x1024xi32>
    %convert_element_type3A = arith.sitofp %iota3A : vector<64x1024xi32> to vector<64x1024xf32>
    %iota3A_31 = tpu.iota {dimensions = array<i32: 1>} : vector<64x1024xi32>
    %convert_element_type3A_32 = arith.sitofp %iota3A_31 : vector<64x1024xi32> to vector<64x1024xf32>
    %mul3A = arith.constant 64 : i32
    %mul3A_33 = arith.muli %arg0, %mul3A : i32
    %convert_element_type3A_34 = arith.sitofp %mul3A_33 : i32 to f32
    %add3A = vector.broadcast %convert_element_type3A_34 : f32 to vector<64x1024xf32>
    %add3A_35 = arith.addf %add3A, %convert_element_type3A : vector<64x1024xf32>
    %add3A_36 = arith.constant 5.000000e-01 : f32
    %add3A_37 = vector.broadcast %add3A_36 : f32 to vector<64x1024xf32>
    %add3A_38 = arith.addf %add3A_35, %add3A_37 : vector<64x1024xf32>
    %mul3A_39 = arith.constant 9.765625E-4 : f32
    %mul3A_40 = vector.broadcast %mul3A_39 : f32 to vector<64x1024xf32>
    %mul3A_41 = arith.mulf %add3A_38, %mul3A_40 : vector<64x1024xf32>
    %add3A_42 = arith.constant 5.000000e-01 : f32
    %add3A_43 = vector.broadcast %add3A_42 : f32 to vector<64x1024xf32>
    %add3A_44 = arith.addf %convert_element_type3A_32, %add3A_43 : vector<64x1024xf32>
    %mul3A_45 = arith.constant 9.765625E-4 : f32
    %mul3A_46 = vector.broadcast %mul3A_45 : f32 to vector<64x1024xf32>
    %mul3A_47 = arith.mulf %add3A_44, %mul3A_46 : vector<64x1024xf32>
    %broadcast_in_dim3A = arith.constant 1.000000e+00 : f32
    %broadcast_in_dim3A_48 = vector.broadcast %broadcast_in_dim3A : f32 to vector<64x1024xf32>
    %swap3A = arith.constant 0 : index
    %swap3A_49 = arith.constant 0 : index
    %swap3A_50 = arith.constant 0 : index
    %swap3A_51 = arith.constant 0 : index
    %swap3A_52 = vector.load %arg6[%swap3A, %swap3A_49, %swap3A_50, %swap3A_51] : memref<1x14x64x1024xf32, #tpu.memory_space<vmem>>, vector<1x1x64x1024xf32>
    %swap3A_53 = vector.shape_cast %swap3A_52 : vector<1x1x64x1024xf32> to vector<64x1024xf32>
    %swap3A_54 = vector.shape_cast %get3A_3 : vector<64x1024xf32> to vector<1x1x64x1024xf32>
    tpu.vector_store %arg6[%swap3A, %swap3A_49, %swap3A_50, %swap3A_51], %swap3A_54 {strides = array<i32>} : memref<1x14x64x1024xf32, #tpu.memory_space<vmem>>, vector<1x1x64x1024xf32>,
    %mul3A_55 = arith.constant 0.761594176 : f32
    %mul3A_56 = vector.broadcast %mul3A_55 : f32 to vector<64x1024xf32>
    %mul3A_57 = arith.mulf %mul3A_56, %get3A_8 : vector<64x1024xf32>
    %swap3A_58 = arith.constant 0 : index
    %swap3A_59 = arith.constant 1 : index
    %swap3A_60 = arith.constant 0 : index
    %swap3A_61 = arith.constant 0 : index
    %swap3A_62 = vector.load %arg6[%swap3A_58, %swap3A_59, %swap3A_60, %swap3A_61] : memref<1x14x64x1024xf32, #tpu.memory_space<vmem>>, vector<1x1x64x1024xf32>
    %swap3A_63 = vector.shape_cast %swap3A_62 : vector<1x1x64x1024xf32> to vector<64x1024xf32>
    %swap3A_64 = vector.shape_cast %mul3A_57 : vector<64x1024xf32> to vector<1x1x64x1024xf32>
    tpu.vector_store %arg6[%swap3A_58, %swap3A_59, %swap3A_60, %swap3A_61], %swap3A_64 {strides = array<i32>} : memref<1x14x64x1024xf32, #tpu.memory_space<vmem>>, vector<1x1x64x1024xf32>,
    %mul3A_65 = arith.constant 0.761594176 : f32
    %mul3A_66 = vector.broadcast %mul3A_65 : f32 to vector<64x1024xf32>
    %mul3A_67 = arith.mulf %mul3A_66, %get3A_13 : vector<64x1024xf32>
    %swap3A_68 = arith.constant 0 : index
    %swap3A_69 = arith.constant 2 : index
    %swap3A_70 = arith.constant 0 : index
    %swap3A_71 = arith.constant 0 : index
    %swap3A_72 = vector.load %arg6[%swap3A_68, %swap3A_69, %swap3A_70, %swap3A_71] : memref<1x14x64x1024xf32, #tpu.memory_space<vmem>>, vector<1x1x64x1024xf32>
    %swap3A_73 = vector.shape_cast %swap3A_72 : vector<1x1x64x1024xf32> to vector<64x1024xf32>
    %swap3A_74 = vector.shape_cast %mul3A_67 : vector<64x1024xf32> to vector<1x1x64x1024xf32>
    tpu.vector_store %arg6[%swap3A_68, %swap3A_69, %swap3A_70, %swap3A_71], %swap3A_74 {strides = array<i32>} : memref<1x14x64x1024xf32, #tpu.memory_space<vmem>>, vector<1x1x64x1024xf32>,
    %mul3A_75 = arith.constant 0.761594176 : f32
    %mul3A_76 = vector.broadcast %mul3A_75 : f32 to vector<64x1024xf32>
    %mul3A_77 = arith.mulf %mul3A_76, %get3A_18 : vector<64x1024xf32>
    %swap3A_78 = arith.constant 0 : index
    %swap3A_79 = arith.constant 3 : index
    %swap3A_80 = arith.constant 0 : index
    %swap3A_81 = arith.constant 0 : index
    %swap3A_82 = vector.load %arg6[%swap3A_78, %swap3A_79, %swap3A_80, %swap3A_81] : memref<1x14x64x1024xf32, #tpu.memory_space<vmem>>, vector<1x1x64x1024xf32>
    %swap3A_83 = vector.shape_cast %swap3A_82 : vector<1x1x64x1024xf32> to vector<64x1024xf32>
    %swap3A_84 = vector.shape_cast %mul3A_77 : vector<64x1024xf32> to vector<1x1x64x1024xf32>
    tpu.vector_store %arg6[%swap3A_78, %swap3A_79, %swap3A_80, %swap3A_81], %swap3A_84 {strides = array<i32>} : memref<1x14x64x1024xf32, #tpu.memory_space<vmem>>, vector<1x1x64x1024xf32>,
    %swap3A_85 = arith.constant 0 : index
    %swap3A_86 = arith.constant 4 : index
    %swap3A_87 = arith.constant 0 : index
    %swap3A_88 = arith.constant 0 : index
    %swap3A_89 = vector.load %arg6[%swap3A_85, %swap3A_86, %swap3A_87, %swap3A_88] : memref<1x14x64x1024xf32, #tpu.memory_space<vmem>>, vector<1x1x64x1024xf32>
    %swap3A_90 = vector.shape_cast %swap3A_89 : vector<1x1x64x1024xf32> to vector<64x1024xf32>
    %swap3A_91 = vector.shape_cast %get3A_8 : vector<64x1024xf32> to vector<1x1x64x1024xf32>
    tpu.vector_store %arg6[%swap3A_85, %swap3A_86, %swap3A_87, %swap3A_88], %swap3A_91 {strides = array<i32>} : memref<1x14x64x1024xf32, #tpu.memory_space<vmem>>, vector<1x1x64x1024xf32>,
    %swap3A_92 = arith.constant 0 : index
    %swap3A_93 = arith.constant 5 : index
    %swap3A_94 = arith.constant 0 : index
    %swap3A_95 = arith.constant 0 : index
    %swap3A_96 = vector.load %arg6[%swap3A_92, %swap3A_93, %swap3A_94, %swap3A_95] : memref<1x14x64x1024xf32, #tpu.memory_space<vmem>>, vector<1x1x64x1024xf32>
    %swap3A_97 = vector.shape_cast %swap3A_96 : vector<1x1x64x1024xf32> to vector<64x1024xf32>
    %swap3A_98 = vector.shape_cast %get3A_13 : vector<64x1024xf32> to vector<1x1x64x1024xf32>
    tpu.vector_store %arg6[%swap3A_92, %swap3A_93, %swap3A_94, %swap3A_95], %swap3A_98 {strides = array<i32>} : memref<1x14x64x1024xf32, #tpu.memory_space<vmem>>, vector<1x1x64x1024xf32>,
    %swap3A_99 = arith.constant 0 : index
    %swap3A_100 = arith.constant 6 : index
    %swap3A_101 = arith.constant 0 : index
    %swap3A_102 = arith.constant 0 : index
    %swap3A_103 = vector.load %arg6[%swap3A_99, %swap3A_100, %swap3A_101, %swap3A_102] : memref<1x14x64x1024xf32, #tpu.memory_space<vmem>>, vector<1x1x64x1024xf32>
    %swap3A_104 = vector.shape_cast %swap3A_103 : vector<1x1x64x1024xf32> to vector<64x1024xf32>
    %swap3A_105 = vector.shape_cast %get3A_18 : vector<64x1024xf32> to vector<1x1x64x1024xf32>
    tpu.vector_store %arg6[%swap3A_99, %swap3A_100, %swap3A_101, %swap3A_102], %swap3A_105 {strides = array<i32>} : memref<1x14x64x1024xf32, #tpu.memory_space<vmem>>, vector<1x1x64x1024xf32>,
    %max3A = arith.maximumf %get3A_8, %get3A_13 : vector<64x1024xf32>
    %max3A_106 = arith.maximumf %max3A, %get3A_18 : vector<64x1024xf32>
    %swap3A_107 = arith.constant 0 : index
    %swap3A_108 = arith.constant 7 : index
    %swap3A_109 = arith.constant 0 : index
    %swap3A_110 = arith.constant 0 : index
    %swap3A_111 = vector.load %arg6[%swap3A_107, %swap3A_108, %swap3A_109, %swap3A_110] : memref<1x14x64x1024xf32, #tpu.memory_space<vmem>>, vector<1x1x64x1024xf32>
    %swap3A_112 = vector.shape_cast %swap3A_111 : vector<1x1x64x1024xf32> to vector<64x1024xf32>
    %swap3A_113 = vector.shape_cast %max3A_106 : vector<64x1024xf32> to vector<1x1x64x1024xf32>
    tpu.vector_store %arg6[%swap3A_107, %swap3A_108, %swap3A_109, %swap3A_110], %swap3A_113 {strides = array<i32>} : memref<1x14x64x1024xf32, #tpu.memory_space<vmem>>, vector<1x1x64x1024xf32>,
    %swap3A_114 = arith.constant 0 : index
    %swap3A_115 = arith.constant 8 : index
    %swap3A_116 = arith.constant 0 : index
    %swap3A_117 = arith.constant 0 : index
    %swap3A_118 = vector.load %arg6[%swap3A_114, %swap3A_115, %swap3A_116, %swap3A_117] : memref<1x14x64x1024xf32, #tpu.memory_space<vmem>>, vector<1x1x64x1024xf32>
    %swap3A_119 = vector.shape_cast %swap3A_118 : vector<1x1x64x1024xf32> to vector<64x1024xf32>
    %swap3A_120 = vector.shape_cast %broadcast_in_dim3A_48 : vector<64x1024xf32> to vector<1x1x64x1024xf32>
    tpu.vector_store %arg6[%swap3A_114, %swap3A_115, %swap3A_116, %swap3A_117], %swap3A_120 {strides = array<i32>} : memref<1x14x64x1024xf32, #tpu.memory_space<vmem>>, vector<1x1x64x1024xf32>,
    %swap3A_121 = arith.constant 0 : index
    %swap3A_122 = arith.constant 9 : index
    %swap3A_123 = arith.constant 0 : index
    %swap3A_124 = arith.constant 0 : index
    %swap3A_125 = vector.load %arg6[%swap3A_121, %swap3A_122, %swap3A_123, %swap3A_124] : memref<1x14x64x1024xf32, #tpu.memory_space<vmem>>, vector<1x1x64x1024xf32>
    %swap3A_126 = vector.shape_cast %swap3A_125 : vector<1x1x64x1024xf32> to vector<64x1024xf32>
    %swap3A_127 = vector.shape_cast %broadcast_in_dim3A_48 : vector<64x1024xf32> to vector<1x1x64x1024xf32>
    tpu.vector_store %arg6[%swap3A_121, %swap3A_122, %swap3A_123, %swap3A_124], %swap3A_127 {strides = array<i32>} : memref<1x14x64x1024xf32, #tpu.memory_space<vmem>>, vector<1x1x64x1024xf32>,
    %sub3A = vector.broadcast %get3A_27 : f32 to vector<64x1024xf32>
    %sub3A_128 = arith.subf %sub3A, %mul3A_47 : vector<64x1024xf32>
    %mul3A_129 = arith.constant 1.41421354 : f32
    %mul3A_130 = vector.broadcast %mul3A_129 : f32 to vector<64x1024xf32>
    %mul3A_131 = arith.mulf %sub3A_128, %mul3A_130 : vector<64x1024xf32>
    %swap3A_132 = arith.constant 0 : index
    %swap3A_133 = arith.constant 10 : index
    %swap3A_134 = arith.constant 0 : index
    %swap3A_135 = arith.constant 0 : index
    %swap3A_136 = vector.load %arg6[%swap3A_132, %swap3A_133, %swap3A_134, %swap3A_135] : memref<1x14x64x1024xf32, #tpu.memory_space<vmem>>, vector<1x1x64x1024xf32>
    %swap3A_137 = vector.shape_cast %swap3A_136 : vector<1x1x64x1024xf32> to vector<64x1024xf32>
    %swap3A_138 = vector.shape_cast %mul3A_131 : vector<64x1024xf32> to vector<1x1x64x1024xf32>
    tpu.vector_store %arg6[%swap3A_132, %swap3A_133, %swap3A_134, %swap3A_135], %swap3A_138 {strides = array<i32>} : memref<1x14x64x1024xf32, #tpu.memory_space<vmem>>, vector<1x1x64x1024xf32>,
    %sub3A_139 = vector.broadcast %get3A_30 : f32 to vector<64x1024xf32>
    %sub3A_140 = arith.subf %sub3A_139, %mul3A_41 : vector<64x1024xf32>
    %mul3A_141 = arith.constant 1.41421354 : f32
    %mul3A_142 = vector.broadcast %mul3A_141 : f32 to vector<64x1024xf32>
    %mul3A_143 = arith.mulf %sub3A_140, %mul3A_142 : vector<64x1024xf32>
    %swap3A_144 = arith.constant 0 : index
    %swap3A_145 = arith.constant 11 : index
    %swap3A_146 = arith.constant 0 : index
    %swap3A_147 = arith.constant 0 : index
    %swap3A_148 = vector.load %arg6[%swap3A_144, %swap3A_145, %swap3A_146, %swap3A_147] : memref<1x14x64x1024xf32, #tpu.memory_space<vmem>>, vector<1x1x64x1024xf32>
    %swap3A_149 = vector.shape_cast %swap3A_148 : vector<1x1x64x1024xf32> to vector<64x1024xf32>
    %swap3A_150 = vector.shape_cast %mul3A_143 : vector<64x1024xf32> to vector<1x1x64x1024xf32>
    tpu.vector_store %arg6[%swap3A_144, %swap3A_145, %swap3A_146, %swap3A_147], %swap3A_150 {strides = array<i32>} : memref<1x14x64x1024xf32, #tpu.memory_space<vmem>>, vector<1x1x64x1024xf32>,
    %mul3A_151 = vector.broadcast %get3A_24 : f32 to vector<64x1024xf32>
    %mul3A_152 = arith.mulf %broadcast_in_dim3A_48, %mul3A_151 : vector<64x1024xf32>
    %swap3A_153 = arith.constant 0 : index
    %swap3A_154 = arith.constant 12 : index
    %swap3A_155 = arith.constant 0 : index
    %swap3A_156 = arith.constant 0 : index
    %swap3A_157 = vector.load %arg6[%swap3A_153, %swap3A_154, %swap3A_155, %swap3A_156] : memref<1x14x64x1024xf32, #tpu.memory_space<vmem>>, vector<1x1x64x1024xf32>
    %swap3A_158 = vector.shape_cast %swap3A_157 : vector<1x1x64x1024xf32> to vector<64x1024xf32>
    %swap3A_159 = vector.shape_cast %mul3A_152 : vector<64x1024xf32> to vector<1x1x64x1024xf32>
    tpu.vector_store %arg6[%swap3A_153, %swap3A_154, %swap3A_155, %swap3A_156], %swap3A_159 {strides = array<i32>} : memref<1x14x64x1024xf32, #tpu.memory_space<vmem>>, vector<1x1x64x1024xf32>,
    %mul3A_160 = vector.broadcast %get3A_21 : f32 to vector<64x1024xf32>
    %mul3A_161 = arith.mulf %broadcast_in_dim3A_48, %mul3A_160 : vector<64x1024xf32>
    %swap3A_162 = arith.constant 0 : index
    %swap3A_163 = arith.constant 13 : index
    %swap3A_164 = arith.constant 0 : index
    %swap3A_165 = arith.constant 0 : index
    %swap3A_166 = vector.load %arg6[%swap3A_162, %swap3A_163, %swap3A_164, %swap3A_165] : memref<1x14x64x1024xf32, #tpu.memory_space<vmem>>, vector<1x1x64x1024xf32>
    %swap3A_167 = vector.shape_cast %swap3A_166 : vector<1x1x64x1024xf32> to vector<64x1024xf32>
    %swap3A_168 = vector.shape_cast %mul3A_161 : vector<64x1024xf32> to vector<1x1x64x1024xf32>
    tpu.vector_store %arg6[%swap3A_162, %swap3A_163, %swap3A_164, %swap3A_165], %swap3A_168 {strides = array<i32>} : memref<1x14x64x1024xf32, #tpu.memory_space<vmem>>, vector<1x1x64x1024xf32>,
    return
  }
  func.func @transform_0(%arg0: i32) -> (i32, i32) {
    %c0_i32 = arith.constant 0 : i32
    %c0_i32_0 = arith.constant 0 : i32
    %c0_i32_1 = arith.constant 0 : i32
    return %c0_i32, %c0_i32_0 : i32, i32
  }
  func.func @transform_1(%arg0: i32) -> (i32, i32, i32) {
    %add3A = arith.constant 0 : i32
    %add3A_0 = arith.addi %add3A, %arg0 : i32
    %c0_i32 = arith.constant 0 : i32
    %c0_i32_1 = arith.constant 0 : i32
    %c0_i32_2 = arith.constant 0 : i32
    return %c0_i32, %add3A_0, %c0_i32_1 : i32, i32, i32
  }
  func.func @transform_2(%arg0: i32) -> (i32, i32, i32) {
    %add3A = arith.constant 16 : i32
    %add3A_0 = arith.addi %add3A, %arg0 : i32
    %c0_i32 = arith.constant 0 : i32
    %c0_i32_1 = arith.constant 0 : i32
    %c0_i32_2 = arith.constant 0 : i32
    return %c0_i32, %add3A_0, %c0_i32_1 : i32, i32, i32
  }
  func.func @transform_3(%arg0: i32) -> (i32, i32, i32) {
    %add3A = arith.constant 0 : i32
    %add3A_0 = arith.addi %add3A, %arg0 : i32
    %c1_i32 = arith.constant 1 : i32
    %c0_i32 = arith.constant 0 : i32
    %c0_i32_1 = arith.constant 0 : i32
    return %c1_i32, %add3A_0, %c0_i32 : i32, i32, i32
  }
  func.func @transform_4(%arg0: i32) -> (i32, i32, i32) {
    %add3A = arith.constant 16 : i32
    %add3A_0 = arith.addi %add3A, %arg0 : i32
    %c1_i32 = arith.constant 1 : i32
    %c0_i32 = arith.constant 0 : i32
    %c0_i32_1 = arith.constant 0 : i32
    return %c1_i32, %add3A_0, %c0_i32 : i32, i32, i32
  }
  func.func @transform_5(%arg0: i32) -> (i32, i32, i32, i32) {
    %c0_i32 = arith.constant 0 : i32
    %c0_i32_0 = arith.constant 0 : i32
    %c0_i32_1 = arith.constant 0 : i32
    %c0_i32_2 = arith.constant 0 : i32
    return %c0_i32, %c0_i32_0, %arg0, %c0_i32_1 : i32, i32, i32, i32
  }
}

</mosaic_0001>

<sc_bundles>
// kernel: kernel.5.cloned.1.call-start
scs
__scs_entry_jumppad:
0x0: {  	(pc) =	sbr.rel $0x88, $3  }
0x1: {  	(tag) =	ssettag $0x0;
	lr =	simm.s32 $0x1  }
0x2: {  	[smem:$0x3F99] =	sst lr;
	_ =	strace $0xD0000000  }
0x3: {  	_ = 	snop  }
0x4: {  	_ = 	snop  }
0x5: {  	_ = 	snop  }
0x6: {  	_ = 	snop  }
0x7: {  	_ = 	snop  }
__scs_overlays_trampoline_lowered:
0x8: {  	[smem:$0x3FA8] =	sst s0  }
0x9: {  	[smem:$0x3FA9] =	sst s1  }
0xa: {  	[smem:$0x3FAA] =	sst s2  }
0xb: {  	[smem:$0x3FAB] =	sst s3  }
0xc: {  	[smem:$0x3FAC] =	sst s4  }
0xd: {  	[smem:$0x3FAD] =	sst s5  }
0xe: {  	[smem:$0x3FAE] =	sst s6  }
0xf: {  	[smem:$0x3FAF] =	sst s7  }
0x10: {  	[smem:$0x3FB0] =	sst s8  }
0x11: {  	[smem:$0x3FB1] =	sst s9;
	s0 =	simm.s32 @!p0 $0x0  }
0x12: {  	s1 =	sld [smem:$0x3F97];
	s0 =	simm.s32 @p0 $0x1  }
0x13: {  	[smem:$0x3FB2] =	sst s0;
	s0 =	simm.s32 @!p1 $0x0  }
0x14: {  	s2 =	sld [smem:$0x3F96];
	s0 =	simm.s32 @p1 $0x1  }
0x15: {  	[smem:$0x3FB3] =	sst s0;
	s0 =	simm.s32 @!p2 $0x0  }
0x16: {  	s3 =	sld [smem:$0x3FDB];
	s0 =	simm.s32 @p2 $0x1  }
0x17: {  	s4 =	simm.s32 $0x1BF5;
	[smem:$0x3FB5] =	sst s0  }
0x18: {  	s0 =	sld [smem:$0x3F98];
	_ =	swait.ge [sflag:s4], $0x0  }
0x19: {  	s7 =	sld [smem:$0x3F99]  }
0x1a: {  	s8 =	sadd.s32 $0xFFFFE003, lr  }
0x1b: {  	s9 =	sadd.s32 $0xFFFFFEF7, lr;
	s5 =	simm.s32 $0xFFFFFFFF;
	p2 =	slt.u32 s8, $0xFFFFF086  }
0x1c: {  	p1 =	slt.u32 s9, $0xF7A;
	s5 =	simm.s32 @!p2 $0x0  }
0x1d: {  	s5 =	simm.s32 @p1 $0x1;
	p0 =	seq.s32 s7, s2  }
0x1e: {  	s7 =	smul.u32 @!p0 $0xF7A, s2;
	p2 =	seq.s32 @!p0 s5, $0x0  }
0x1f: {  	s9 =	smul.u32 $0xF7A, s1;
	s8 =	simm.s32 @!p0 $0x1BF5;
	p2 =	por !p2, p0  }
0x20: {  	[sflag:s8] =	ssyncset.s32 @!p0 $0xFFFFF086;
	s6 =	sadd.s32 @!p0 s3, s7;
	s7 =	simm.s32 @!p0 $0x108  }
0x21: {  	s3 =	sadd.s32 s3, s9;
	s6 =	sadd.s32 @!p0 $0x88, s6;
	s7 =	simm.s32 @p2 $0x1082  }
0x22: {  	[simem:s7], [sflag:s8] =	dma.local @!p0 [hbm:s6], $0xF7A  }
0x23: {  	s9 =	sor.u32 $0xD0000000, s2;
	s6 =	simm.s32 $0x108;
	_ =	swait.ge @!p0 [sflag:s8], $0x0  }
0x24: {  	s3 =	sadd.s32 $0x88, s3;
	s6 =	simm.s32 @!p1 $0x1082;
	[sflag:s4] =	ssyncset.s32 $0xFFFFF086  }
0x25: {  	[simem:s6], [sflag:s4] =	dma.local [hbm:s3], $0xF7A  }
0x26: {  	[smem:$0x3F99] =	sst s1;
	(tag) =	ssettag s2;
	_ =	strace s9  }
0x27: {  	s1 =	sld [smem:$0x3FA9]  }
0x28: {  	s2 =	sld [smem:$0x3FAA]  }
0x29: {  	s4 =	sld [smem:$0x3FAC]  }
0x2a: {  	p0 =	seq.s32 s5, $0x0;
	s5 =	sld [smem:$0x3FAD]  }
0x2b: {  	s6 =	sld [smem:$0x3FAE]  }
0x2c: {  	s7 =	sld [smem:$0x3FAF]  }
0x2d: {  	s3 =	simm.s32 $0x108;
	s8 =	sld [smem:$0x3FB0]  }
0x2e: {  	s3 =	simm.s32 @!p0 $0x1082;
	s9 =	sld [smem:$0x3FB1]  }
0x2f: {  	lr =	sadd.s32 s0, s3;
	s0 =	sld [smem:$0x3FA8]  }
0x30: {  	s3 =	sld [smem:$0x3FAB]  }
0x31: {  	[smem:$0x3FB4] =	sst s10  }
0x32: {  	s10 =	sld [smem:$0x3FB2];
	_ =	sdelay $0x3  }
0x33: {  	p0 =	seq.s32 s10, $0x1;
	s10 =	sld [smem:$0x3FB4];
	_ =	sdelay $0x3  }
0x34: {  	[smem:$0x3FB4] =	sst s10  }
0x35: {  	s10 =	sld [smem:$0x3FB3];
	_ =	sdelay $0x3  }
0x36: {  	p1 =	seq.s32 s10, $0x1;
	s10 =	sld [smem:$0x3FB4];
	_ =	sdelay $0x3  }
0x37: {  	[smem:$0x3FB4] =	sst s10  }
0x38: {  	s10 =	sld [smem:$0x3FB5]  }
0x39: {  	_ = 	snop;
	(pc) =	sbr.ind lr, $3  }
0x3a: {  	_ = 	snop  }
0x3b: {  	_ = 	snop  }
0x3c: {  	p2 =	seq.s32 s10, $0x1;
	s10 =	sld [smem:$0x3FB4]  }
0x3d: {  	_ =	shalt  }
0x3e: {  	_ =	shalt  }
0x3f: {  	_ =	shalt  }
0x40: {  	_ =	shalt  }
0x41: {  	_ =	shalt  }
0x42: {  	_ =	shalt  }
0x43: {  	_ =	shalt  }
0x44: {  	_ =	shalt  }
0x45: {  	_ =	shalt  }
0x46: {  	_ =	shalt  }
0x47: {  	_ =	shalt  }
0x48: {  	_ =	shalt  }
0x49: {  	_ =	shalt  }
0x4a: {  	_ =	shalt  }
0x4b: {  	_ =	shalt  }
0x4c: {  	_ =	shalt  }
0x4d: {  	_ =	shalt  }
0x4e: {  	_ =	shalt  }
0x4f: {  	_ =	shalt  }
0x50: {  	_ =	shalt  }
0x51: {  	_ =	shalt  }
0x52: {  	_ =	shalt  }
0x53: {  	_ =	shalt  }
0x54: {  	_ =	shalt  }
0x55: {  	_ =	shalt  }
0x56: {  	_ =	shalt  }
0x57: {  	_ =	shalt  }
0x58: {  	_ =	shalt  }
0x59: {  	_ =	shalt  }
0x5a: {  	_ =	shalt  }
0x5b: {  	_ =	shalt  }
0x5c: {  	_ =	shalt  }
0x5d: {  	_ =	shalt  }
0x5e: {  	_ =	shalt  }
0x5f: {  	_ =	shalt  }
0x60: {  	_ =	shalt  }
0x61: {  	_ =	shalt  }
0x62: {  	_ =	shalt  }
0x63: {  	_ =	shalt  }
0x64: {  	_ =	shalt  }
0x65: {  	_ =	shalt  }
0x66: {  	_ =	shalt  }
0x67: {  	_ =	shalt  }
0x68: {  	_ =	shalt  }
0x69: {  	_ =	shalt  }
0x6a: {  	_ =	shalt  }
0x6b: {  	_ =	shalt  }
0x6c: {  	_ =	shalt  }
0x6d: {  	_ =	shalt  }
0x6e: {  	_ =	shalt  }
0x6f: {  	_ =	shalt  }
0x70: {  	_ =	shalt  }
0x71: {  	_ =	shalt  }
0x72: {  	_ =	shalt  }
0x73: {  	_ =	shalt  }
0x74: {  	_ =	shalt  }
0x75: {  	_ =	shalt  }
0x76: {  	_ =	shalt  }
0x77: {  	_ =	shalt  }
0x78: {  	_ =	shalt  }
0x79: {  	_ =	shalt  }
0x7a: {  	_ =	shalt  }
0x7b: {  	_ =	shalt  }
0x7c: {  	_ =	shalt  }
0x7d: {  	_ =	shalt  }
0x7e: {  	_ =	shalt  }
0x7f: {  	_ =	shalt  }
0x80: {  	_ =	shalt  }
0x81: {  	_ =	shalt  }
0x82: {  	_ =	shalt  }
0x83: {  	_ =	shalt  }
0x84: {  	_ =	shalt  }
0x85: {  	_ =	shalt  }
0x86: {  	_ =	shalt  }
0x87: {  	_ =	shalt  }
.Lfunc_end0:
.L_simem_size_0:
called_computation_lowered:
.L_overlay_start_0:
0x88: {  	s2 =	sld [smem:$0x3FD9]  }
0x89: {  	s3 =	sld [smem:$0x3FFE];
	_ =	sdelay $0x1  }
0x8a: {  	s1 =	srdreg.scid  }
0x8b: {  	s0 =	sand.u32 $0x1, s1  }
0x8c: {  	s17 =	sshll.u32 s0, $0xA;
	s2 =	sadd.s32 s3, s2  }
0x8d: {  	s2 =	sadd.s32 s2, s17  }
0x8e: {  	[smem:$0x3FC0] =	sst s2  }
0x8f: {  	_ = 	snop  }
0x90: {  	s2 =	sld [smem:$0x3FD0];
	(tm) =	ssettm $0x1  }
0x91: {  	s18 =	sld [smem:$0x3FFB];
	_ =	sdelay $0x3  }
0x92: {  	_ =	strace s18  }
0x93: {  	s3 =	sld [smem:$0x3FFC];
	_ =	sdelay $0x3  }
0x94: {  	_ =	strace s3  }
0x95: {  	s3 =	sld [smem:$0x3FFD];
	_ =	sdelay $0x3  }
0x96: {  	_ =	strace s3  }
0x97: {  	_ =	strace $0x8FFFFFFF  }
0x98: {  	s19 =	sld [smem:$0x3FDB];
	_ =	sdelay $0x1  }
0x99: {  	s4 =	simm.s32 $_scs_section_size  }
0x9a: {  	s5 =	simm.s32 $_size__tile_overlayer_lowered;
	s6 =	simm.s32 $_tile_overlayer_lowered  }
0x9b: {  	s22 =	simm.s32 $0x1BFF;
	s21 =	sshll.u32 s6, $0x1;
	s3 =	sadd.s32 s4, s19  }
0x9c: {  	s7 =	simm.s32 $0x0;
	s20 =	sshll.u32 s5, $0x1;
	s5 =	sadd.s32 s21, s3  }
0x9d: {  	[timem:s7], [sflag:s22] =	dma.local [hbm:s5], s20  }
0x9e: {  	_ =	swait.ge [sflag:s22], s20  }
0x9f: {  	s4 =	ssub.s32 $0x0, s20;
	[sflag:s22] =	ssyncset.done $0x0  }
0xa0: {  	[sflag:s22] =	ssyncadd.s32 s4;
	_ =	sdelay $0x1  }
0xa1: {  	s23 =	simm.s32 $0x1B8B  }
0xa2: {  	_ =	swait.ge [sflag:s23], $0x1  }
0xa3: {  	[sflag:s23] =	ssyncset.done $0x0  }
0xa4: {  	s25 =	simm.s32 $0x1B8E;
	s24 =	sld [smem:$0x3FFE];
	[sflag:s23] =	ssyncadd.s32 $0xFFFFFFFF  }
0xa5: {  	s26 =	simm.s32 $execute0_lowered;
	[smem:$0x3FD2] =	sst s25  }
0xa6: {  	s5 =	sshll.u32 s26, $0x1;
	_ =	strace $0x80000046;
	[dreg:$0x1] =	wrdreg $0xFFFFFFFF  }
0xa7: {  	s28 =	simm.s32 $_size_execute0_lowered;
	s3 =	sadd.s32 s3, s5;
	[dreg:$0x0] =	wrdreg $0x0  }
0xa8: {  	s5 =	sshll.u32 s28, $0x1;
	[dreg:$0x2] =	wrdreg s3  }
0xa9: {  	[dreg:$0x3] =	wrdreg s5  }
0xaa: {  	[dreg:$0x4] =	wrdreg $0xC0  }
0xab: {  	_ =	task [dreg:s7], $0x5FFFF  }
0xac: {  	[dreg:$0x1] =	wrdreg $0xFFFFFFFF  }
0xad: {  	[dreg:$0x0] =	wrdreg $0x60  }
0xae: {  	[dreg:$0x2] =	wrdreg s24  }
0xaf: {  	[dreg:$0x3] =	wrdreg s2  }
0xb0: {  	[dreg:$0x4] =	wrdreg $0x9  }
0xb1: {  	_ =	task.clear_ibuf [dreg:s7], $0x5FFFF;
	_ =	strace $0x90000046  }
0xb2: {  	s29 =	simm.s32 $0x9;
	_ =	strace $0x80000048  }
0xb3: {  	_ =	swait.ge [sflag:s29], $0x1  }
0xb4: {  	[sflag:s29] =	ssyncadd.s32 $0xFFFFFFFF  }
0xb5: {  	_ =	strace $0x90000048  }
0xb6: {  	_ =	sfence  }
0xb7: {  	s30 =	sld [smem:$0x0];
	_ =	sdelay $0x2  }
0xb8: {  	s31 =	sshll.u32 s1, $0xD;
	s1 =	sshrl.u32 s1, $0x2  }
0xb9: {  	s3 =	sand.u32 $0x4000, s31;
	s1 =	sadd.s32 s1, s30  }
0xba: {  	s0 =	sor.u32 s3, s0;
	s1 =	sshll.u32 s1, $0x11  }
0xbb: {  	s0 =	sor.u32 s1, s0  }
0xbc: {  	s0 =	sadd.s32 $0x8F2B, s0  }
0xbd: {  	[sflag:s0] =	ssyncadd.remote.s32 $0x1  }
0xbe: {  	_ =	sfence.sel $0xFFFF  }
0xbf: {  	[dreg:$0x0] =	wrdreg $0xFFFFFFFF;
	(pc) =	sbr.abs _section_cstart, $3  }
0xc0: {  	[dreg:$0x1] =	wrdreg $0xFFFFFFFF  }
0xc1: {  	_ =	task.clear_ibuf [dreg:s7], $0x2FFFF;
	_ =	strace $0x9FFFFFFF  }
0xc2: {  	(tm) =	ssettm $0x7FFFFFFF  }
0xc3: {  	_ =	shalt  }
tec
execute0_lowered:
.L_overlay_start_1:
0x0: {  	(tag) =	ssettag $0x1  }
0x1: {  	s0 =	rddreg [dreg:$0x0]  }
0x2: {  	s1 =	srdreg.scid;
	s2 =	rddreg [dreg:$0x1]  }
0x3: {  	s7 =	stileid.u32;
	s3 =	simm.s32 $0x0;
	s10 =	simm.s32 $0xC80  }
0x4: {  	s8 =	simm.s32 $0x80;
	s9 =	simm.s32 $0xC00;
	s11 =	simm.s32 $0x100  }
0x5: {  	s12 =	simm.s32 $0x180;
	s13 =	simm.s32 $0x200;
	s14 =	simm.s32 $0x280  }
0x6: {  	s15 =	simm.s32 $0x300;
	s16 =	simm.s32 $0x380;
	s17 =	simm.s32 $0x400  }
0x7: {  	s18 =	simm.s32 $0x480;
	s19 =	simm.s32 $0x500;
	s20 =	simm.s32 $0x580  }
0x8: {  	s21 =	simm.s32 $0x600;
	s22 =	simm.s32 $0x680;
	s28 =	simm.s32 $0x900  }
0x9: {  	s29 =	simm.s32 $0x980;
	s1 =	sand.u32 $0x1, s1;
	s5 =	smul.u32 $0x1EC00, s7  }
0xa: {  	s30 =	simm.s32 $0xA00;
	s31 =	simm.s32 $0xA80;
	s4 =	smul.u32 $0x1EC000, s1  }
0xb: {  	[smem:$0x7FF] =	sst s3;
	s6 =	smul.u32 $0x204000, s1;
	s1 =	ssub.s32 $0x2, s1  }
0xc: {  	s23 =	smul.u32 $0x20400, s7;
	s7 =	simm.s32 $0x2;
	s24 =	sshrl.u32 s1, $0x1  }
0xd: {  	_ =	strace $0x80000047;
	s4 =	sadd.s32 s5, s4;
	s1 =	ssub.s32 s1, s24  }
0xe: {  	s25 =	sadd.s32 s23, s6;
	s23 =	simm.s32 $0x700;
	s24 =	simm.s32 $0x780  }
0xf: {  	s4 =	sshrl.u32 s4, $0x3;
	s1 =	smax.u32 s1, $0x1;
	s26 =	sshrl.u32 s25, $0x3  }
0x10: {  	s25 =	simm.s32 $0x800;
	s0 =	sadd.s32 s4, s0;
	[dreg:$0x4] =	wrdreg s1  }
0x11: {  	s5 =	sadd.s32 s26, s2;
	s1 =	simm.s32 $0x1;
	s0 =	sadd.s32 $0x1800, s0  }
0x12: {  	v0 =	vimm.f32 $1.000000000e+00;
	v1 =	vimm.f32 $0.0e+00;
	s26 =	simm.s32 $0x880;
	[dreg:$0x3] =	wrdreg s0;
	s0 =	simm.s32 $0x0  }
.LBB2_1:
0x13: {  	[tilespmem:$0xC00] =	vst v0  }
0x14: {  	[tilespmem:$0xC10] =	vst v0  }
0x15: {  	[tilespmem:$0xC20] =	vst v0  }
0x16: {  	[tilespmem:$0xC30] =	vst v0  }
0x17: {  	[tilespmem:$0xC40] =	vst v0  }
0x18: {  	[tilespmem:$0xC50] =	vst v0  }
0x19: {  	[tilespmem:$0xC60] =	vst v0  }
0x1a: {  	[tilespmem:$0xC70] =	vst v0;
	s4 =	simm.s32 $0x0  }
.LBB2_2:
0x1b: {  	p0 =	sne.s32 s4, $0x80C0  }
.Ltmp0:
0x1c: {  	_ = 	snop;
	(pc) =	sbr.rel @p0 .LBB2_2-.Ltmp0, $3  }
0x1d: {  	_ =	sdelay $0x1  }
0x1e: {  	s6 =	sshra.s32 s4, $0x2  }
0x1f: {  	s4 =	sadd.s32 $0x40, s4;
	[tilespmem:s6+$0xC80] =	vst v1  }
0x20: {  	[dreg:$0x5] =	wrdreg s0;
	s4 =	sadd.s32 $0x0, s5  }
0x21: {  	[hbm4b:s4+s3] =	stream.linear.scatter [tilespmem:s10], [sflag:$0x2], $0x2040, $0x38;
	[tilespmem:$0x2D00] =	vst v63  }
0x22: {  	_ =	swait.ge [sflag:s7], $0x2040  }
0x23: {  	s4 =	simm.s32 $0x408;
	[sflag:s7] =	ssyncset.done $0x0  }
.LBB2_4:
0x24: {  	s6 =	sadd.s32 s4, s5;
	[sflag:s7] =	ssyncadd.s32 $0xFFFFDFC0;
	p0 =	sne.s32 s4, $0x3C78  }
0x25: {  	[hbm4b:s6+s3] =	stream.linear.scatter [tilespmem:s10], [sflag:$0x2], $0x2040, $0x38;
	[tilespmem:$0x2D00] =	vst v63  }
.Ltmp1:
0x26: {  	_ = 	snop;
	(pc) =	sbr.rel @p0 .LBB2_4-.Ltmp1, $4  }
0x27: {  	_ = 	snop  }
0x28: {  	s4 =	sadd.s32 $0x408, s4  }
0x29: {  	_ =	swait.ge [sflag:s7], $0x2040  }
0x2a: {  	[sflag:s7] =	ssyncset.done $0x0  }
0x2b: {  	[sflag:s7] =	ssyncadd.s32 $0xFFFFDFC0  }
0x2c: {  	[bflag:$0x0] =	sbarrier.arrive $0xFFFF  }
0x2d: {  	s4 =	rddreg [dreg:$0x3]  }
0x2e: {  	s4 =	sadd.s32 $0x0, s4  }
0x2f: {  	[tilespmem:s3], [sflag:$0x2] =	stream.linear.gather [hbm4b:s4+s3], $0xC00, $0x38;
	[tilespmem:$0x2D00] =	vst v63  }
0x30: {  	_ =	swait.ge [sflag:s7], $0xC00  }
0x31: {  	[sflag:s7] =	ssyncset.done $0x0  }
0x32: {  	[sflag:s7] =	ssyncadd.s32 $0xFFFFF400  }
0x33: {  	[hbm4b:s2+s8] =	stream.indirect.scatter [tilespmem:s9], [sflag:$0x1], $0x1, s3, s8, $0xb8;
	[tilespmem:$0x2D00] =	vst v63  }
0x34: {  	_ = 	snop  }
0x35: {  	[hbm4b:s2+s8] =	stream.indirect.scatter [tilespmem:s9], [sflag:$0x1], $0x1, s8, s8, $0xb8;
	[tilespmem:$0x2D00] =	vst v63  }
0x36: {  	_ = 	snop  }
0x37: {  	[hbm4b:s2+s8] =	stream.indirect.scatter [tilespmem:s9], [sflag:$0x1], $0x1, s11, s8, $0xb8;
	[tilespmem:$0x2D00] =	vst v63  }
0x38: {  	_ = 	snop  }
0x39: {  	[hbm4b:s2+s8] =	stream.indirect.scatter [tilespmem:s9], [sflag:$0x1], $0x1, s12, s8, $0xb8;
	[tilespmem:$0x2D00] =	vst v63  }
0x3a: {  	_ = 	snop  }
0x3b: {  	[hbm4b:s2+s8] =	stream.indirect.scatter [tilespmem:s9], [sflag:$0x1], $0x1, s13, s8, $0xb8;
	[tilespmem:$0x2D00] =	vst v63  }
0x3c: {  	_ = 	snop  }
0x3d: {  	[hbm4b:s2+s8] =	stream.indirect.scatter [tilespmem:s9], [sflag:$0x1], $0x1, s14, s8, $0xb8;
	[tilespmem:$0x2D00] =	vst v63  }
0x3e: {  	_ = 	snop  }
0x3f: {  	[hbm4b:s2+s8] =	stream.indirect.scatter [tilespmem:s9], [sflag:$0x1], $0x1, s15, s8, $0xb8;
	[tilespmem:$0x2D00] =	vst v63  }
0x40: {  	_ = 	snop  }
0x41: {  	[hbm4b:s2+s8] =	stream.indirect.scatter [tilespmem:s9], [sflag:$0x1], $0x1, s16, s8, $0xb8;
	[tilespmem:$0x2D00] =	vst v63  }
0x42: {  	_ = 	snop  }
0x43: {  	[hbm4b:s2+s8] =	stream.indirect.scatter [tilespmem:s9], [sflag:$0x1], $0x1, s17, s8, $0xb8;
	[tilespmem:$0x2D00] =	vst v63  }
0x44: {  	_ = 	snop  }
0x45: {  	[hbm4b:s2+s8] =	stream.indirect.scatter [tilespmem:s9], [sflag:$0x1], $0x1, s18, s8, $0xb8;
	[tilespmem:$0x2D00] =	vst v63  }
0x46: {  	_ = 	snop  }
0x47: {  	[hbm4b:s2+s8] =	stream.indirect.scatter [tilespmem:s9], [sflag:$0x1], $0x1, s19, s8, $0xb8;
	[tilespmem:$0x2D00] =	vst v63  }
0x48: {  	_ = 	snop  }
0x49: {  	[hbm4b:s2+s8] =	stream.indirect.scatter [tilespmem:s9], [sflag:$0x1], $0x1, s20, s8, $0xb8;
	[tilespmem:$0x2D00] =	vst v63  }
0x4a: {  	_ = 	snop  }
0x4b: {  	[hbm4b:s2+s8] =	stream.indirect.scatter [tilespmem:s9], [sflag:$0x1], $0x1, s21, s8, $0xb8;
	[tilespmem:$0x2D00] =	vst v63  }
0x4c: {  	_ = 	snop  }
0x4d: {  	[hbm4b:s2+s8] =	stream.indirect.scatter [tilespmem:s9], [sflag:$0x1], $0x1, s22, s8, $0xb8;
	[tilespmem:$0x2D00] =	vst v63  }
0x4e: {  	_ = 	snop  }
0x4f: {  	[hbm4b:s2+s8] =	stream.indirect.scatter [tilespmem:s9], [sflag:$0x1], $0x1, s23, s8, $0xb8;
	[tilespmem:$0x2D00] =	vst v63  }
0x50: {  	_ = 	snop  }
0x51: {  	[hbm4b:s2+s8] =	stream.indirect.scatter [tilespmem:s9], [sflag:$0x1], $0x1, s24, s8, $0xb8;
	[tilespmem:$0x2D00] =	vst v63  }
0x52: {  	_ = 	snop  }
0x53: {  	[hbm4b:s2+s8] =	stream.indirect.scatter [tilespmem:s9], [sflag:$0x1], $0x1, s25, s8, $0xb8;
	[tilespmem:$0x2D00] =	vst v63  }
0x54: {  	_ = 	snop  }
0x55: {  	[hbm4b:s2+s8] =	stream.indirect.scatter [tilespmem:s9], [sflag:$0x1], $0x1, s26, s8, $0xb8;
	[tilespmem:$0x2D00] =	vst v63  }
0x56: {  	_ = 	snop  }
0x57: {  	[hbm4b:s2+s8] =	stream.indirect.scatter [tilespmem:s9], [sflag:$0x1], $0x1, s28, s8, $0xb8;
	[tilespmem:$0x2D00] =	vst v63  }
0x58: {  	_ = 	snop  }
0x59: {  	[hbm4b:s2+s8] =	stream.indirect.scatter [tilespmem:s9], [sflag:$0x1], $0x1, s29, s8, $0xb8;
	[tilespmem:$0x2D00] =	vst v63  }
0x5a: {  	_ = 	snop  }
0x5b: {  	[hbm4b:s2+s8] =	stream.indirect.scatter [tilespmem:s9], [sflag:$0x1], $0x1, s30, s8, $0xb8;
	[tilespmem:$0x2D00] =	vst v63  }
0x5c: {  	_ = 	snop  }
0x5d: {  	[hbm4b:s2+s8] =	stream.indirect.scatter [tilespmem:s9], [sflag:$0x1], $0x1, s31, s8, $0xb8;
	[tilespmem:$0x2D00] =	vst v63  }
0x5e: {  	s0 =	simm.s32 $0xB00  }
0x5f: {  	[hbm4b:s2+s8] =	stream.indirect.scatter [tilespmem:s9], [sflag:$0x1], $0x1, s0, s8, $0xb8;
	[tilespmem:$0x2D00] =	vst v63  }
0x60: {  	s11 =	simm.s32 $0xB80  }
0x61: {  	[hbm4b:s2+s8] =	stream.indirect.scatter [tilespmem:s9], [sflag:$0x1], $0x1, s11, s8, $0xb8;
	[tilespmem:$0x2D00] =	vst v63  }
0x62: {  	_ =	swait.ge [sflag:s1], $0x80  }
0x63: {  	[sflag:s1] =	ssyncset.done $0x0  }
0x64: {  	[sflag:s1] =	ssyncadd.s32 $0xFFFFFF80  }
0x65: {  	_ =	swait.ge [sflag:s1], $0x80  }
0x66: {  	[sflag:s1] =	ssyncset.done $0x0  }
0x67: {  	[sflag:s1] =	ssyncadd.s32 $0xFFFFFF80  }
0x68: {  	_ =	swait.ge [sflag:s1], $0x80  }
0x69: {  	[sflag:s1] =	ssyncset.done $0x0  }
0x6a: {  	[sflag:s1] =	ssyncadd.s32 $0xFFFFFF80  }
0x6b: {  	_ =	swait.ge [sflag:s1], $0x80  }
0x6c: {  	[sflag:s1] =	ssyncset.done $0x0  }
0x6d: {  	[sflag:s1] =	ssyncadd.s32 $0xFFFFFF80  }
0x6e: {  	_ =	swait.ge [sflag:s1], $0x80  }
0x6f: {  	[sflag:s1] =	ssyncset.done $0x0  }
0x70: {  	[sflag:s1] =	ssyncadd.s32 $0xFFFFFF80  }
0x71: {  	_ =	swait.ge [sflag:s1], $0x80  }
0x72: {  	[sflag:s1] =	ssyncset.done $0x0  }
0x73: {  	[sflag:s1] =	ssyncadd.s32 $0xFFFFFF80  }
0x74: {  	_ =	swait.ge [sflag:s1], $0x80  }
0x75: {  	[sflag:s1] =	ssyncset.done $0x0  }
0x76: {  	[sflag:s1] =	ssyncadd.s32 $0xFFFFFF80  }
0x77: {  	_ =	swait.ge [sflag:s1], $0x80  }
0x78: {  	[sflag:s1] =	ssyncset.done $0x0  }
0x79: {  	[sflag:s1] =	ssyncadd.s32 $0xFFFFFF80  }
0x7a: {  	_ =	swait.ge [sflag:s1], $0x80  }
0x7b: {  	[sflag:s1] =	ssyncset.done $0x0  }
0x7c: {  	[sflag:s1] =	ssyncadd.s32 $0xFFFFFF80  }
0x7d: {  	_ =	swait.ge [sflag:s1], $0x80  }
0x7e: {  	[sflag:s1] =	ssyncset.done $0x0  }
0x7f: {  	[sflag:s1] =	ssyncadd.s32 $0xFFFFFF80  }
0x80: {  	_ =	swait.ge [sflag:s1], $0x80  }
0x81: {  	[sflag:s1] =	ssyncset.done $0x0  }
0x82: {  	[sflag:s1] =	ssyncadd.s32 $0xFFFFFF80  }
0x83: {  	_ =	swait.ge [sflag:s1], $0x80  }
0x84: {  	[sflag:s1] =	ssyncset.done $0x0  }
0x85: {  	[sflag:s1] =	ssyncadd.s32 $0xFFFFFF80  }
0x86: {  	_ =	swait.ge [sflag:s1], $0x80  }
0x87: {  	[sflag:s1] =	ssyncset.done $0x0  }
0x88: {  	[sflag:s1] =	ssyncadd.s32 $0xFFFFFF80  }
0x89: {  	_ =	swait.ge [sflag:s1], $0x80  }
0x8a: {  	[sflag:s1] =	ssyncset.done $0x0  }
0x8b: {  	[sflag:s1] =	ssyncadd.s32 $0xFFFFFF80  }
0x8c: {  	_ =	swait.ge [sflag:s1], $0x80  }
0x8d: {  	[sflag:s1] =	ssyncset.done $0x0  }
0x8e: {  	[sflag:s1] =	ssyncadd.s32 $0xFFFFFF80  }
0x8f: {  	_ =	swait.ge [sflag:s1], $0x80  }
0x90: {  	[sflag:s1] =	ssyncset.done $0x0  }
0x91: {  	[sflag:s1] =	ssyncadd.s32 $0xFFFFFF80  }
0x92: {  	_ =	swait.ge [sflag:s1], $0x80  }
0x93: {  	[sflag:s1] =	ssyncset.done $0x0  }
0x94: {  	[sflag:s1] =	ssyncadd.s32 $0xFFFFFF80  }
0x95: {  	_ =	swait.ge [sflag:s1], $0x80  }
0x96: {  	[sflag:s1] =	ssyncset.done $0x0  }
0x97: {  	[sflag:s1] =	ssyncadd.s32 $0xFFFFFF80  }
0x98: {  	_ =	swait.ge [sflag:s1], $0x80  }
0x99: {  	[sflag:s1] =	ssyncset.done $0x0  }
0x9a: {  	[sflag:s1] =	ssyncadd.s32 $0xFFFFFF80  }
0x9b: {  	_ =	swait.ge [sflag:s1], $0x80  }
0x9c: {  	[sflag:s1] =	ssyncset.done $0x0  }
0x9d: {  	[sflag:s1] =	ssyncadd.s32 $0xFFFFFF80  }
0x9e: {  	_ =	swait.ge [sflag:s1], $0x80  }
0x9f: {  	[sflag:s1] =	ssyncset.done $0x0  }
0xa0: {  	[sflag:s1] =	ssyncadd.s32 $0xFFFFFF80  }
0xa1: {  	_ =	swait.ge [sflag:s1], $0x80  }
0xa2: {  	[sflag:s1] =	ssyncset.done $0x0  }
0xa3: {  	[sflag:s1] =	ssyncadd.s32 $0xFFFFFF80  }
0xa4: {  	_ =	swait.ge [sflag:s1], $0x80  }
0xa5: {  	[sflag:s1] =	ssyncset.done $0x0  }
0xa6: {  	[sflag:s1] =	ssyncadd.s32 $0xFFFFFF80  }
0xa7: {  	s6 =	simm.s32 $0x300;
	_ =	swait.ge [sflag:s1], $0x80  }
0xa8: {  	s4 =	simm.s32 $0x180;
	s10 =	rddreg [dreg:$0x3];
	[sflag:s1] =	ssyncset.done $0x0  }
.LBB2_6:
0xa9: {  	[sflag:s1] =	ssyncadd.s32 $0xFFFFFF80;
	s10 =	sadd.s32 s4, s10  }
0xaa: {  	[tilespmem:s3], [sflag:$0x2] =	stream.linear.gather [hbm4b:s10+s3], $0xC00, $0x38;
	[tilespmem:$0x2D00] =	vst v63  }
0xab: {  	_ =	swait.ge [sflag:s7], $0xC00  }
0xac: {  	[sflag:s7] =	ssyncset.done $0x0  }
0xad: {  	[sflag:s7] =	ssyncadd.s32 $0xFFFFF400  }
0xae: {  	[hbm4b:s2+s8] =	stream.indirect.scatter [tilespmem:s9], [sflag:$0x1], $0x1, s3, s8, $0xb8;
	[tilespmem:$0x2D00] =	vst v63  }
0xaf: {  	s11 =	smov.u32 s6  }
0xb0: {  	[hbm4b:s2+s8] =	stream.indirect.scatter [tilespmem:s9], [sflag:$0x1], $0x1, s8, s8, $0xb8;
	[tilespmem:$0x2D00] =	vst v63  }
0xb1: {  	s4 =	smov.u32 s11;
	s11 =	simm.s32 $0x100  }
0xb2: {  	[hbm4b:s2+s8] =	stream.indirect.scatter [tilespmem:s9], [sflag:$0x1], $0x1, s11, s8, $0xb8;
	[tilespmem:$0x2D00] =	vst v63  }
0xb3: {  	_ = 	snop  }
0xb4: {  	[hbm4b:s2+s8] =	stream.indirect.scatter [tilespmem:s9], [sflag:$0x1], $0x1, s12, s8, $0xb8;
	[tilespmem:$0x2D00] =	vst v63  }
0xb5: {  	_ = 	snop  }
0xb6: {  	[hbm4b:s2+s8] =	stream.indirect.scatter [tilespmem:s9], [sflag:$0x1], $0x1, s13, s8, $0xb8;
	[tilespmem:$0x2D00] =	vst v63  }
0xb7: {  	_ = 	snop  }
0xb8: {  	[hbm4b:s2+s8] =	stream.indirect.scatter [tilespmem:s9], [sflag:$0x1], $0x1, s14, s8, $0xb8;
	[tilespmem:$0x2D00] =	vst v63  }
0xb9: {  	_ = 	snop  }
0xba: {  	[hbm4b:s2+s8] =	stream.indirect.scatter [tilespmem:s9], [sflag:$0x1], $0x1, s15, s8, $0xb8;
	[tilespmem:$0x2D00] =	vst v63  }
0xbb: {  	_ = 	snop  }
0xbc: {  	[hbm4b:s2+s8] =	stream.indirect.scatter [tilespmem:s9], [sflag:$0x1], $0x1, s16, s8, $0xb8;
	[tilespmem:$0x2D00] =	vst v63  }
0xbd: {  	_ = 	snop  }
0xbe: {  	[hbm4b:s2+s8] =	stream.indirect.scatter [tilespmem:s9], [sflag:$0x1], $0x1, s17, s8, $0xb8;
	[tilespmem:$0x2D00] =	vst v63  }
0xbf: {  	_ = 	snop  }
0xc0: {  	[hbm4b:s2+s8] =	stream.indirect.scatter [tilespmem:s9], [sflag:$0x1], $0x1, s18, s8, $0xb8;
	[tilespmem:$0x2D00] =	vst v63  }
0xc1: {  	_ = 	snop  }
0xc2: {  	[hbm4b:s2+s8] =	stream.indirect.scatter [tilespmem:s9], [sflag:$0x1], $0x1, s19, s8, $0xb8;
	[tilespmem:$0x2D00] =	vst v63  }
0xc3: {  	_ = 	snop  }
0xc4: {  	[hbm4b:s2+s8] =	stream.indirect.scatter [tilespmem:s9], [sflag:$0x1], $0x1, s20, s8, $0xb8;
	[tilespmem:$0x2D00] =	vst v63  }
0xc5: {  	_ = 	snop  }
0xc6: {  	[hbm4b:s2+s8] =	stream.indirect.scatter [tilespmem:s9], [sflag:$0x1], $0x1, s21, s8, $0xb8;
	[tilespmem:$0x2D00] =	vst v63  }
0xc7: {  	_ = 	snop  }
0xc8: {  	[hbm4b:s2+s8] =	stream.indirect.scatter [tilespmem:s9], [sflag:$0x1], $0x1, s22, s8, $0xb8;
	[tilespmem:$0x2D00] =	vst v63  }
0xc9: {  	_ = 	snop  }
0xca: {  	[hbm4b:s2+s8] =	stream.indirect.scatter [tilespmem:s9], [sflag:$0x1], $0x1, s23, s8, $0xb8;
	[tilespmem:$0x2D00] =	vst v63  }
0xcb: {  	_ = 	snop  }
0xcc: {  	[hbm4b:s2+s8] =	stream.indirect.scatter [tilespmem:s9], [sflag:$0x1], $0x1, s24, s8, $0xb8;
	[tilespmem:$0x2D00] =	vst v63  }
0xcd: {  	_ = 	snop  }
0xce: {  	[hbm4b:s2+s8] =	stream.indirect.scatter [tilespmem:s9], [sflag:$0x1], $0x1, s25, s8, $0xb8;
	[tilespmem:$0x2D00] =	vst v63  }
0xcf: {  	_ = 	snop  }
0xd0: {  	[hbm4b:s2+s8] =	stream.indirect.scatter [tilespmem:s9], [sflag:$0x1], $0x1, s26, s8, $0xb8;
	[tilespmem:$0x2D00] =	vst v63  }
0xd1: {  	_ = 	snop  }
0xd2: {  	[hbm4b:s2+s8] =	stream.indirect.scatter [tilespmem:s9], [sflag:$0x1], $0x1, s28, s8, $0xb8;
	[tilespmem:$0x2D00] =	vst v63  }
0xd3: {  	_ = 	snop  }
0xd4: {  	[hbm4b:s2+s8] =	stream.indirect.scatter [tilespmem:s9], [sflag:$0x1], $0x1, s29, s8, $0xb8;
	[tilespmem:$0x2D00] =	vst v63  }
0xd5: {  	_ = 	snop  }
0xd6: {  	[hbm4b:s2+s8] =	stream.indirect.scatter [tilespmem:s9], [sflag:$0x1], $0x1, s30, s8, $0xb8;
	[tilespmem:$0x2D00] =	vst v63  }
0xd7: {  	_ = 	snop  }
0xd8: {  	[hbm4b:s2+s8] =	stream.indirect.scatter [tilespmem:s9], [sflag:$0x1], $0x1, s31, s8, $0xb8;
	[tilespmem:$0x2D00] =	vst v63  }
0xd9: {  	_ = 	snop  }
0xda: {  	[hbm4b:s2+s8] =	stream.indirect.scatter [tilespmem:s9], [sflag:$0x1], $0x1, s0, s8, $0xb8;
	[tilespmem:$0x2D00] =	vst v63  }
0xdb: {  	s10 =	simm.s32 $0xB80  }
0xdc: {  	[hbm4b:s2+s8] =	stream.indirect.scatter [tilespmem:s9], [sflag:$0x1], $0x1, s10, s8, $0xb8;
	[tilespmem:$0x2D00] =	vst v63  }
0xdd: {  	_ =	swait.ge [sflag:s1], $0x80  }
0xde: {  	[sflag:s1] =	ssyncset.done $0x0  }
0xdf: {  	[sflag:s1] =	ssyncadd.s32 $0xFFFFFF80  }
0xe0: {  	_ =	swait.ge [sflag:s1], $0x80  }
0xe1: {  	[sflag:s1] =	ssyncset.done $0x0  }
0xe2: {  	[sflag:s1] =	ssyncadd.s32 $0xFFFFFF80  }
0xe3: {  	_ =	swait.ge [sflag:s1], $0x80  }
0xe4: {  	[sflag:s1] =	ssyncset.done $0x0  }
0xe5: {  	[sflag:s1] =	ssyncadd.s32 $0xFFFFFF80  }
0xe6: {  	_ =	swait.ge [sflag:s1], $0x80  }
0xe7: {  	[sflag:s1] =	ssyncset.done $0x0  }
0xe8: {  	[sflag:s1] =	ssyncadd.s32 $0xFFFFFF80  }
0xe9: {  	_ =	swait.ge [sflag:s1], $0x80  }
0xea: {  	[sflag:s1] =	ssyncset.done $0x0  }
0xeb: {  	[sflag:s1] =	ssyncadd.s32 $0xFFFFFF80  }
0xec: {  	_ =	swait.ge [sflag:s1], $0x80  }
0xed: {  	[sflag:s1] =	ssyncset.done $0x0  }
0xee: {  	[sflag:s1] =	ssyncadd.s32 $0xFFFFFF80  }
0xef: {  	_ =	swait.ge [sflag:s1], $0x80  }
0xf0: {  	[sflag:s1] =	ssyncset.done $0x0  }
0xf1: {  	[sflag:s1] =	ssyncadd.s32 $0xFFFFFF80  }
0xf2: {  	_ =	swait.ge [sflag:s1], $0x80  }
0xf3: {  	[sflag:s1] =	ssyncset.done $0x0  }
0xf4: {  	[sflag:s1] =	ssyncadd.s32 $0xFFFFFF80  }
0xf5: {  	_ =	swait.ge [sflag:s1], $0x80  }
0xf6: {  	[sflag:s1] =	ssyncset.done $0x0  }
0xf7: {  	[sflag:s1] =	ssyncadd.s32 $0xFFFFFF80  }
0xf8: {  	_ =	swait.ge [sflag:s1], $0x80  }
0xf9: {  	[sflag:s1] =	ssyncset.done $0x0  }
0xfa: {  	[sflag:s1] =	ssyncadd.s32 $0xFFFFFF80  }
0xfb: {  	_ =	swait.ge [sflag:s1], $0x80  }
0xfc: {  	[sflag:s1] =	ssyncset.done $0x0  }
0xfd: {  	[sflag:s1] =	ssyncadd.s32 $0xFFFFFF80  }
0xfe: {  	_ =	swait.ge [sflag:s1], $0x80  }
0xff: {  	[sflag:s1] =	ssyncset.done $0x0  }
0x100: {  	[sflag:s1] =	ssyncadd.s32 $0xFFFFFF80  }
0x101: {  	_ =	swait.ge [sflag:s1], $0x80  }
0x102: {  	[sflag:s1] =	ssyncset.done $0x0  }
0x103: {  	[sflag:s1] =	ssyncadd.s32 $0xFFFFFF80  }
0x104: {  	_ =	swait.ge [sflag:s1], $0x80  }
0x105: {  	[sflag:s1] =	ssyncset.done $0x0  }
0x106: {  	[sflag:s1] =	ssyncadd.s32 $0xFFFFFF80  }
0x107: {  	_ =	swait.ge [sflag:s1], $0x80  }
0x108: {  	[sflag:s1] =	ssyncset.done $0x0  }
0x109: {  	[sflag:s1] =	ssyncadd.s32 $0xFFFFFF80  }
0x10a: {  	_ =	swait.ge [sflag:s1], $0x80  }
0x10b: {  	[sflag:s1] =	ssyncset.done $0x0  }
0x10c: {  	[sflag:s1] =	ssyncadd.s32 $0xFFFFFF80  }
0x10d: {  	_ =	swait.ge [sflag:s1], $0x80  }
0x10e: {  	[sflag:s1] =	ssyncset.done $0x0  }
0x10f: {  	[sflag:s1] =	ssyncadd.s32 $0xFFFFFF80  }
0x110: {  	_ =	swait.ge [sflag:s1], $0x80  }
0x111: {  	[sflag:s1] =	ssyncset.done $0x0  }
0x112: {  	[sflag:s1] =	ssyncadd.s32 $0xFFFFFF80  }
0x113: {  	_ =	swait.ge [sflag:s1], $0x80  }
0x114: {  	[sflag:s1] =	ssyncset.done $0x0  }
0x115: {  	[sflag:s1] =	ssyncadd.s32 $0xFFFFFF80  }
0x116: {  	_ =	swait.ge [sflag:s1], $0x80  }
0x117: {  	[sflag:s1] =	ssyncset.done $0x0  }
0x118: {  	[sflag:s1] =	ssyncadd.s32 $0xFFFFFF80  }
0x119: {  	_ =	swait.ge [sflag:s1], $0x80  }
0x11a: {  	[sflag:s1] =	ssyncset.done $0x0  }
0x11b: {  	[sflag:s1] =	ssyncadd.s32 $0xFFFFFF80  }
0x11c: {  	_ =	swait.ge [sflag:s1], $0x80  }
0x11d: {  	[sflag:s1] =	ssyncset.done $0x0  }
0x11e: {  	p0 =	sne.s32 s6, $0x3C00;
	[sflag:s1] =	ssyncadd.s32 $0xFFFFFF80  }
.Ltmp2:
0x11f: {  	_ =	swait.ge [sflag:s1], $0x80;
	(pc) =	sbr.rel @p0 .LBB2_6-.Ltmp2, $4  }
0x120: {  	[sflag:s1] =	ssyncset.done $0x0  }
0x121: {  	[sflag:s1] =	ssyncadd.s32 $0xFFFFFF80  }
0x122: {  	_ =	swait.ge [sflag:s1], $0x80  }
0x123: {  	s6 =	sadd.s32 $0x180, s6;
	s10 =	rddreg [dreg:$0x3];
	[sflag:s1] =	ssyncset.done $0x0  }
0x124: {  	s4 =	sadd.s32 s4, s10;
	[sflag:s1] =	ssyncadd.s32 $0xFFFFFF80  }
0x125: {  	[tilespmem:s3], [sflag:$0x2] =	stream.linear.gather [hbm4b:s4+s3], $0xC00, $0x38;
	[tilespmem:$0x2D00] =	vst v63  }
0x126: {  	_ =	swait.ge [sflag:s7], $0xC00  }
0x127: {  	[sflag:s7] =	ssyncset.done $0x0  }
0x128: {  	[sflag:s7] =	ssyncadd.s32 $0xFFFFF400  }
0x129: {  	[hbm4b:s2+s8] =	stream.indirect.scatter [tilespmem:s9], [sflag:$0x1], $0x1, s3, s8, $0xb8;
	[tilespmem:$0x2D00] =	vst v63  }
0x12a: {  	_ = 	snop  }
0x12b: {  	[hbm4b:s2+s8] =	stream.indirect.scatter [tilespmem:s9], [sflag:$0x1], $0x1, s8, s8, $0xb8;
	[tilespmem:$0x2D00] =	vst v63  }
0x12c: {  	_ = 	snop  }
0x12d: {  	[hbm4b:s2+s8] =	stream.indirect.scatter [tilespmem:s9], [sflag:$0x1], $0x1, s11, s8, $0xb8;
	[tilespmem:$0x2D00] =	vst v63  }
0x12e: {  	_ = 	snop  }
0x12f: {  	[hbm4b:s2+s8] =	stream.indirect.scatter [tilespmem:s9], [sflag:$0x1], $0x1, s12, s8, $0xb8;
	[tilespmem:$0x2D00] =	vst v63  }
0x130: {  	_ = 	snop  }
0x131: {  	[hbm4b:s2+s8] =	stream.indirect.scatter [tilespmem:s9], [sflag:$0x1], $0x1, s13, s8, $0xb8;
	[tilespmem:$0x2D00] =	vst v63  }
0x132: {  	_ = 	snop  }
0x133: {  	[hbm4b:s2+s8] =	stream.indirect.scatter [tilespmem:s9], [sflag:$0x1], $0x1, s14, s8, $0xb8;
	[tilespmem:$0x2D00] =	vst v63  }
0x134: {  	_ = 	snop  }
0x135: {  	[hbm4b:s2+s8] =	stream.indirect.scatter [tilespmem:s9], [sflag:$0x1], $0x1, s15, s8, $0xb8;
	[tilespmem:$0x2D00] =	vst v63  }
0x136: {  	_ = 	snop  }
0x137: {  	[hbm4b:s2+s8] =	stream.indirect.scatter [tilespmem:s9], [sflag:$0x1], $0x1, s16, s8, $0xb8;
	[tilespmem:$0x2D00] =	vst v63  }
0x138: {  	_ = 	snop  }
0x139: {  	[hbm4b:s2+s8] =	stream.indirect.scatter [tilespmem:s9], [sflag:$0x1], $0x1, s17, s8, $0xb8;
	[tilespmem:$0x2D00] =	vst v63  }
0x13a: {  	_ = 	snop  }
0x13b: {  	[hbm4b:s2+s8] =	stream.indirect.scatter [tilespmem:s9], [sflag:$0x1], $0x1, s18, s8, $0xb8;
	[tilespmem:$0x2D00] =	vst v63  }
0x13c: {  	_ = 	snop  }
0x13d: {  	[hbm4b:s2+s8] =	stream.indirect.scatter [tilespmem:s9], [sflag:$0x1], $0x1, s19, s8, $0xb8;
	[tilespmem:$0x2D00] =	vst v63  }
0x13e: {  	_ = 	snop  }
0x13f: {  	[hbm4b:s2+s8] =	stream.indirect.scatter [tilespmem:s9], [sflag:$0x1], $0x1, s20, s8, $0xb8;
	[tilespmem:$0x2D00] =	vst v63  }
0x140: {  	_ = 	snop  }
0x141: {  	[hbm4b:s2+s8] =	stream.indirect.scatter [tilespmem:s9], [sflag:$0x1], $0x1, s21, s8, $0xb8;
	[tilespmem:$0x2D00] =	vst v63  }
0x142: {  	_ = 	snop  }
0x143: {  	[hbm4b:s2+s8] =	stream.indirect.scatter [tilespmem:s9], [sflag:$0x1], $0x1, s22, s8, $0xb8;
	[tilespmem:$0x2D00] =	vst v63  }
0x144: {  	_ = 	snop  }
0x145: {  	[hbm4b:s2+s8] =	stream.indirect.scatter [tilespmem:s9], [sflag:$0x1], $0x1, s23, s8, $0xb8;
	[tilespmem:$0x2D00] =	vst v63  }
0x146: {  	_ = 	snop  }
0x147: {  	[hbm4b:s2+s8] =	stream.indirect.scatter [tilespmem:s9], [sflag:$0x1], $0x1, s24, s8, $0xb8;
	[tilespmem:$0x2D00] =	vst v63  }
0x148: {  	_ = 	snop  }
0x149: {  	[hbm4b:s2+s8] =	stream.indirect.scatter [tilespmem:s9], [sflag:$0x1], $0x1, s25, s8, $0xb8;
	[tilespmem:$0x2D00] =	vst v63  }
0x14a: {  	_ = 	snop  }
0x14b: {  	[hbm4b:s2+s8] =	stream.indirect.scatter [tilespmem:s9], [sflag:$0x1], $0x1, s26, s8, $0xb8;
	[tilespmem:$0x2D00] =	vst v63  }
0x14c: {  	_ = 	snop  }
0x14d: {  	[hbm4b:s2+s8] =	stream.indirect.scatter [tilespmem:s9], [sflag:$0x1], $0x1, s28, s8, $0xb8;
	[tilespmem:$0x2D00] =	vst v63  }
0x14e: {  	_ = 	snop  }
0x14f: {  	[hbm4b:s2+s8] =	stream.indirect.scatter [tilespmem:s9], [sflag:$0x1], $0x1, s29, s8, $0xb8;
	[tilespmem:$0x2D00] =	vst v63  }
0x150: {  	_ = 	snop  }
0x151: {  	[hbm4b:s2+s8] =	stream.indirect.scatter [tilespmem:s9], [sflag:$0x1], $0x1, s30, s8, $0xb8;
	[tilespmem:$0x2D00] =	vst v63  }
0x152: {  	_ = 	snop  }
0x153: {  	[hbm4b:s2+s8] =	stream.indirect.scatter [tilespmem:s9], [sflag:$0x1], $0x1, s31, s8, $0xb8;
	[tilespmem:$0x2D00] =	vst v63  }
0x154: {  	_ = 	snop  }
0x155: {  	[hbm4b:s2+s8] =	stream.indirect.scatter [tilespmem:s9], [sflag:$0x1], $0x1, s0, s8, $0xb8;
	[tilespmem:$0x2D00] =	vst v63  }
0x156: {  	s4 =	simm.s32 $0xB80  }
0x157: {  	[hbm4b:s2+s8] =	stream.indirect.scatter [tilespmem:s9], [sflag:$0x1], $0x1, s4, s8, $0xb8;
	[tilespmem:$0x2D00] =	vst v63  }
0x158: {  	_ =	swait.ge [sflag:s1], $0x80  }
0x159: {  	[sflag:s1] =	ssyncset.done $0x0  }
0x15a: {  	[sflag:s1] =	ssyncadd.s32 $0xFFFFFF80  }
0x15b: {  	_ =	swait.ge [sflag:s1], $0x80  }
0x15c: {  	[sflag:s1] =	ssyncset.done $0x0  }
0x15d: {  	[sflag:s1] =	ssyncadd.s32 $0xFFFFFF80  }
0x15e: {  	_ =	swait.ge [sflag:s1], $0x80  }
0x15f: {  	[sflag:s1] =	ssyncset.done $0x0  }
0x160: {  	[sflag:s1] =	ssyncadd.s32 $0xFFFFFF80  }
0x161: {  	_ =	swait.ge [sflag:s1], $0x80  }
0x162: {  	[sflag:s1] =	ssyncset.done $0x0  }
0x163: {  	[sflag:s1] =	ssyncadd.s32 $0xFFFFFF80  }
0x164: {  	_ =	swait.ge [sflag:s1], $0x80  }
0x165: {  	[sflag:s1] =	ssyncset.done $0x0  }
0x166: {  	[sflag:s1] =	ssyncadd.s32 $0xFFFFFF80  }
0x167: {  	_ =	swait.ge [sflag:s1], $0x80  }
0x168: {  	[sflag:s1] =	ssyncset.done $0x0  }
0x169: {  	[sflag:s1] =	ssyncadd.s32 $0xFFFFFF80  }
0x16a: {  	_ =	swait.ge [sflag:s1], $0x80  }
0x16b: {  	[sflag:s1] =	ssyncset.done $0x0  }
0x16c: {  	[sflag:s1] =	ssyncadd.s32 $0xFFFFFF80  }
0x16d: {  	_ =	swait.ge [sflag:s1], $0x80  }
0x16e: {  	[sflag:s1] =	ssyncset.done $0x0  }
0x16f: {  	[sflag:s1] =	ssyncadd.s32 $0xFFFFFF80  }
0x170: {  	_ =	swait.ge [sflag:s1], $0x80  }
0x171: {  	[sflag:s1] =	ssyncset.done $0x0  }
0x172: {  	[sflag:s1] =	ssyncadd.s32 $0xFFFFFF80  }
0x173: {  	_ =	swait.ge [sflag:s1], $0x80  }
0x174: {  	[sflag:s1] =	ssyncset.done $0x0  }
0x175: {  	[sflag:s1] =	ssyncadd.s32 $0xFFFFFF80  }
0x176: {  	_ =	swait.ge [sflag:s1], $0x80  }
0x177: {  	[sflag:s1] =	ssyncset.done $0x0  }
0x178: {  	[sflag:s1] =	ssyncadd.s32 $0xFFFFFF80  }
0x179: {  	_ =	swait.ge [sflag:s1], $0x80  }
0x17a: {  	[sflag:s1] =	ssyncset.done $0x0  }
0x17b: {  	[sflag:s1] =	ssyncadd.s32 $0xFFFFFF80  }
0x17c: {  	_ =	swait.ge [sflag:s1], $0x80  }
0x17d: {  	[sflag:s1] =	ssyncset.done $0x0  }
0x17e: {  	[sflag:s1] =	ssyncadd.s32 $0xFFFFFF80  }
0x17f: {  	_ =	swait.ge [sflag:s1], $0x80  }
0x180: {  	[sflag:s1] =	ssyncset.done $0x0  }
0x181: {  	[sflag:s1] =	ssyncadd.s32 $0xFFFFFF80  }
0x182: {  	_ =	swait.ge [sflag:s1], $0x80  }
0x183: {  	[sflag:s1] =	ssyncset.done $0x0  }
0x184: {  	[sflag:s1] =	ssyncadd.s32 $0xFFFFFF80  }
0x185: {  	_ =	swait.ge [sflag:s1], $0x80  }
0x186: {  	[sflag:s1] =	ssyncset.done $0x0  }
0x187: {  	[sflag:s1] =	ssyncadd.s32 $0xFFFFFF80  }
0x188: {  	_ =	swait.ge [sflag:s1], $0x80  }
0x189: {  	[sflag:s1] =	ssyncset.done $0x0  }
0x18a: {  	[sflag:s1] =	ssyncadd.s32 $0xFFFFFF80  }
0x18b: {  	_ =	swait.ge [sflag:s1], $0x80  }
0x18c: {  	[sflag:s1] =	ssyncset.done $0x0  }
0x18d: {  	[sflag:s1] =	ssyncadd.s32 $0xFFFFFF80  }
0x18e: {  	_ =	swait.ge [sflag:s1], $0x80  }
0x18f: {  	[sflag:s1] =	ssyncset.done $0x0  }
0x190: {  	[sflag:s1] =	ssyncadd.s32 $0xFFFFFF80  }
0x191: {  	_ =	swait.ge [sflag:s1], $0x80  }
0x192: {  	[sflag:s1] =	ssyncset.done $0x0  }
0x193: {  	[sflag:s1] =	ssyncadd.s32 $0xFFFFFF80  }
0x194: {  	_ =	swait.ge [sflag:s1], $0x80  }
0x195: {  	[sflag:s1] =	ssyncset.done $0x0  }
0x196: {  	[sflag:s1] =	ssyncadd.s32 $0xFFFFFF80  }
0x197: {  	_ =	swait.ge [sflag:s1], $0x80  }
0x198: {  	[sflag:s1] =	ssyncset.done $0x0  }
0x199: {  	[sflag:s1] =	ssyncadd.s32 $0xFFFFFF80  }
0x19a: {  	_ =	swait.ge [sflag:s1], $0x80  }
0x19b: {  	[sflag:s1] =	ssyncset.done $0x0  }
0x19c: {  	[sflag:s1] =	ssyncadd.s32 $0xFFFFFF80  }
0x19d: {  	_ =	swait.ge [sflag:s1], $0x80  }
0x19e: {  	s6 =	rddreg [dreg:$0x5]  }
0x19f: {  	s10 =	rddreg [dreg:$0x4];
	s0 =	sadd.s32 $0x1, s6  }
0x1a0: {  	p0 =	sne.s32 s0, s10  }
.Ltmp3:
0x1a1: {  	_ = 	snop;
	(pc) =	sbr.rel @p0 .LBB2_1-.Ltmp3, $3  }
0x1a2: {  	_ =	sdelay $0x1  }
0x1a3: {  	[sflag:s1] =	ssyncset.done $0x0  }
0x1a4: {  	[sflag:s1] =	ssyncadd.s32 $0xFFFFFF80;
	s10 =	simm.s32 $0xC80  }
0x1a5: {  	_ =	sfence.sel $0x180000  }
0x1a6: {  	[bflag:$0x0] =	sbarrier.arrive $0xFFFF  }
0x1a7: {  	_ =	strace $0x90000047  }
0x1a8: {  	s0 =	stileid.u32;
	[bflag:$0x2] =	sbarrier.arrive $0xFFFF  }
0x1a9: {  	p0 =	sne.s32 s0, $0x0;
	s0 =	rddreg [dreg:$0x2]  }
0x1aa: {  	s0 =	sadd.s32 @!p0 $0x100000, s0  }
0x1ab: {  	[sflag:s0] =	ssyncadd.tile.s32 @!p0 $0x1;
	_ =	shalt  }
.Lfunc_end2:
_tile_overlayer_lowered:
.L_overlay_start_2:
0x1ac: {  	(tag) =	ssettag $0x2  }
0x1ad: {  	s0 =	rddreg [dreg:$0x0];
	s2 =	stileid.u32  }
0x1ae: {  	s1 =	rddreg [dreg:$0x1];
	p0 =	sne.s32 s2, $0x0  }
0x1af: {  	s3 =	rddreg [dreg:$0x2];
	[bflag:$0x3] =	sbarrier.arrive $0xFFFF;
	s2 =	simm.s32 @!p0 $0x1C02  }
0x1b0: {  	[timem:s3], [sflag:s2] =	dma.local @!p0 [hbm:s0], s1  }
0x1b1: {  	s0 =	simm.s32 @!p0 $0x2  }
0x1b2: {  	_ =	swait.ge @!p0 [sflag:s0], s1  }
0x1b3: {  	s1 =	ssub.s32 @!p0 $0x0, s1;
	[sflag:s0] =	ssyncset.done @!p0 $0x0  }
0x1b4: {  	[sflag:s0] =	ssyncadd.s32 @!p0 s1  }
0x1b5: {  	[bflag:$0x3] =	sbarrier.arrive $0xFFFF  }
0x1b6: {  	_ =	shalt  }

</sc_bundles>
